<compile_context>
chip_gen: v7x
topology: tpu7x:2x2x1
jax: 0.10.2.dev20260603
libtpu: 0.0.44.dev20260713+nightly
codegen_flags: <defaults>
</compile_context>

<pallas_src>
import jax
import jax.numpy as jnp
from jax import lax
from jax.experimental import pallas as pl
from jax.experimental.pallas import tpu as pltpu
from jax.experimental.pallas import tpu_sc as plsc

N_NODES = 10000
N_EDGES = 160000
D = 32
DD = D * D

_NC = 2
_NS = 16
_NW = _NC * _NS
_CHUNK = 128
_NCHUNKS = N_EDGES // _CHUNK
_SUP = 10
_NSUP = _NCHUNKS // _SUP
_SUPE = _SUP * _CHUNK
_SC_MESH = dict(core_axis_name="c", subcore_axis_name="s",
                num_cores=_NC, num_subcores=_NS)



def _gather_body(ns_hbm, src_hbm, out_hbm, idx_v, rows_v, sem):
    wid = lax.axis_index("c") * _NS + lax.axis_index("s")

    def step(t, _):
        sup = wid + t * _NW

        @pl.when(sup < _NSUP)
        def _():
            pltpu.sync_copy(src_hbm.at[sup], idx_v)
            for j in range(_SUP):
                pltpu.async_copy(
                    ns_hbm.at[idx_v.at[j]],
                    rows_v.at[pl.ds(j * _CHUNK, _CHUNK)], sem)
            for j in range(_SUP):
                pltpu.make_async_copy(
                    ns_hbm.at[idx_v.at[j]],
                    rows_v.at[pl.ds(j * _CHUNK, _CHUNK)], sem).wait()
            pltpu.sync_copy(rows_v, out_hbm.at[pl.ds(sup * _SUPE, _SUPE)])
        return _

    lax.fori_loop(0, (_NSUP + _NW - 1) // _NW, step, None)


def _sc_gather(node_states, src3):
    mesh = plsc.VectorSubcoreMesh(**_SC_MESH)
    return pl.kernel(
        _gather_body,
        out_type=jax.ShapeDtypeStruct((N_EDGES, D), jnp.float32),
        mesh=mesh,
        scratch_types=[
            pltpu.VMEM((_SUP, _CHUNK), jnp.int32),
            pltpu.VMEM((_SUPE, D), jnp.float32),
            pltpu.SemaphoreType.DMA,
        ],
        compiler_params=pltpu.CompilerParams(use_tc_tiling_on_sc=False),
    )(node_states, src3)


_ROWS_PER_SUB = N_NODES // _NS


def _scatter_body(msg_hbm, dst_hbm, zs_hbm, ones_hbm, sums_hbm, cnts_hbm,
                  acc_sh, cnt_sh, idx_v, msg_v, ones_v, row_v, sem, sem2):
    cid = lax.axis_index("c")
    sid = lax.axis_index("s")
    wid = cid * _NS + sid
    rows0 = sid * _ROWS_PER_SUB

    pltpu.sync_copy(zs_hbm.at[pl.ds(rows0, _ROWS_PER_SUB)], row_v)
    pltpu.sync_copy(row_v, acc_sh.at[pl.ds(rows0, _ROWS_PER_SUB)])
    pltpu.sync_copy(row_v, cnt_sh.at[pl.ds(rows0, _ROWS_PER_SUB)])
    pltpu.sync_copy(ones_hbm, ones_v)
    plsc.subcore_barrier()

    def step(t, _):
        sup = wid + t * _NW

        @pl.when(sup < _NSUP)
        def _():
            pltpu.sync_copy(dst_hbm.at[sup], idx_v)
            pltpu.sync_copy(msg_hbm.at[pl.ds(sup * _SUPE, _SUPE)], msg_v)
            for j in range(_SUP):
                pltpu.async_copy(
                    msg_v.at[pl.ds(j * _CHUNK, _CHUNK)],
                    acc_sh.at[idx_v.at[j]], sem, add=True)
                pltpu.async_copy(
                    ones_v, cnt_sh.at[idx_v.at[j]], sem2, add=True)
            for j in range(_SUP):
                pltpu.make_async_copy(
                    msg_v.at[pl.ds(j * _CHUNK, _CHUNK)],
                    acc_sh.at[idx_v.at[j]], sem).wait()
                pltpu.make_async_copy(
                    ones_v, cnt_sh.at[idx_v.at[j]], sem2).wait()
        return _

    lax.fori_loop(0, (_NSUP + _NW - 1) // _NW, step, None)
    plsc.subcore_barrier()

    pltpu.sync_copy(acc_sh.at[pl.ds(rows0, _ROWS_PER_SUB)], row_v)
    pltpu.sync_copy(row_v, sums_hbm.at[cid, pl.ds(rows0, _ROWS_PER_SUB)])
    pltpu.sync_copy(cnt_sh.at[pl.ds(rows0, _ROWS_PER_SUB)], row_v)
    pltpu.sync_copy(row_v, cnts_hbm.at[cid, pl.ds(rows0, _ROWS_PER_SUB)])


def _sc_scatter(msg, dst2):
    mesh = plsc.VectorSubcoreMesh(**_SC_MESH)
    zs = jnp.zeros((N_NODES, D), jnp.float32)
    ones = jnp.ones((_CHUNK, D), jnp.float32)
    return pl.kernel(
        _scatter_body,
        out_type=(
            jax.ShapeDtypeStruct((_NC, N_NODES, D), jnp.float32),
            jax.ShapeDtypeStruct((_NC, N_NODES, D), jnp.float32),
        ),
        mesh=mesh,
        scratch_types=[
            pltpu.VMEM_SHARED((N_NODES, D), jnp.float32),
            pltpu.VMEM_SHARED((N_NODES, D), jnp.float32),
            pltpu.VMEM((_SUP, _CHUNK), jnp.int32),
            pltpu.VMEM((_SUPE, D), jnp.float32),
            pltpu.VMEM((_CHUNK, D), jnp.float32),
            pltpu.VMEM((_ROWS_PER_SUB, D), jnp.float32),
            pltpu.SemaphoreType.DMA,
            pltpu.SemaphoreType.DMA,
        ],
        compiler_params=pltpu.CompilerParams(use_tc_tiling_on_sc=False),
    )(msg, dst2, zs, ones)



_MV_BLK = 2000


def _matvec_body(x_ref, a_ref, r_ref, out_ref):
    xb = x_ref[...].astype(jnp.bfloat16)
    xrep = jnp.dot(xb, r_ref[...], preferred_element_type=jnp.float32)
    prod = xrep * a_ref[...]
    t = prod[:, 0:128]
    for g in range(1, 8):
        t = t + prod[:, g * 128:(g + 1) * 128]
    out_ref[...] = (t[:, 0:32] + t[:, 32:64] + t[:, 64:96] + t[:, 96:128])


def _matvec(x_i, a2, r_mat):
    grid = N_EDGES // _MV_BLK
    return pl.pallas_call(
        _matvec_body,
        grid=(grid,),
        in_specs=[
            pl.BlockSpec((_MV_BLK, D), lambda i: (i, 0)),
            pl.BlockSpec((_MV_BLK, DD), lambda i: (i, 0)),
            pl.BlockSpec((D, DD), lambda i: (0, 0)),
        ],
        out_specs=pl.BlockSpec((_MV_BLK, D), lambda i: (i, 0)),
        out_shape=jax.ShapeDtypeStruct((N_EDGES, D), jnp.float32),
        compiler_params=pltpu.CompilerParams(
            dimension_semantics=("arbitrary",),
        ),
    )(x_i, a2, r_mat)


def _make_r() -> jax.Array:
    k = jnp.arange(D)[:, None]
    c = jnp.arange(DD)[None, :]
    return (c // D == k).astype(jnp.bfloat16)



_FIN_BLK = 2000


def _finalize_body(s_ref, c_ref, b_ref, out_ref):
    s = s_ref[0] + s_ref[1]
    c = c_ref[0] + c_ref[1]
    mean = s / jnp.maximum(c, 1.0)
    out_ref[...] = jnp.maximum(mean + b_ref[...], 0.0)


def _finalize(sums, counts, bias):
    nq = N_NODES // 4
    return pl.pallas_call(
        _finalize_body,
        grid=(1,),
        in_specs=[
            pl.BlockSpec((2, nq, 128), lambda i: (0, 0, 0)),
            pl.BlockSpec((2, nq, 128), lambda i: (0, 0, 0)),
            pl.BlockSpec((1, 128), lambda i: (0, 0)),
        ],
        out_specs=pl.BlockSpec((nq, 128), lambda i: (0, 0)),
        out_shape=jax.ShapeDtypeStruct((nq, 128), jnp.float32),
    )(sums.reshape(2, nq, 128), counts.reshape(2, nq, 128),
      jnp.tile(bias, 4).reshape(1, 128))



def kernel(node_states, edge_index, edge, a_in, bias):
    del edge
    src = edge_index[:, 0]
    dst = edge_index[:, 1]
    a2 = a_in.reshape(N_EDGES, DD)

    x_i = _sc_gather(node_states, src.reshape(_NSUP, _SUP, _CHUNK))

    msg = _matvec(x_i, a2, _make_r())

    sums2, counts2 = _sc_scatter(msg, dst.reshape(_NSUP, _SUP, _CHUNK))
    return _finalize(sums2, counts2, bias).reshape(N_NODES, D)

# --- scband reference (transcript-rebuilt; emitter-appended) ---
"""Pipeline reference for scband-message-passing-55405078118496 (READ-ONLY COPY).

The authoritative reference and input builder live on the scoring server;
editing this copy changes nothing except your own understanding.
"""

import jax, jax.numpy as jnp
import numpy as np

N_NODES = 10000
N_EDGES = 160000
NODE_DIM = 32
EDGE_DIM = 16


def setup_inputs(seed: int = 0) -> dict:
    key = jax.random.key(seed)
    k1, k2, k3, k4, k5 = jax.random.split(key, 5)
    node_states = jax.random.normal(k1, (N_NODES, NODE_DIM), dtype=jnp.float32)
    edge_index = jax.random.randint(k2, (N_EDGES, 2), 0, N_NODES, dtype=jnp.int32)
    edge = jax.random.normal(k3, (N_EDGES, EDGE_DIM), dtype=jnp.float32)
    # Pre-encoded per-edge transform matrices A(e_vw): [E, node_dim, node_dim]
    # (output of the edge encoder; materialized as a learned-like tensor since
    # reuse_graph_tensors=True path consumes self._a_in directly)
    a_in = jax.random.normal(k4, (N_EDGES, NODE_DIM, NODE_DIM), dtype=jnp.float32) * (1.0 / np.sqrt(NODE_DIM))
    bound = 1.0 / np.sqrt(NODE_DIM)
    bias = jax.random.uniform(k5, (NODE_DIM,), dtype=jnp.float32, minval=-bound, maxval=bound)
    return {"node_states": node_states, "edge_index": edge_index, "edge": edge, "a_in": a_in, "bias": bias}


def reference(node_states, edge_index, edge, a_in, bias):
    # message_pass: gather source node states along edges
    num_node, node_dim = node_states.shape
    src = edge_index[:, 0]
    dst = edge_index[:, 1]
    x_i = jnp.take(node_states, src, axis=0)                      # [E, d]
    message = jnp.matmul(x_i[:, None, :], a_in).reshape(-1, node_dim)  # [E,1,d] @ [E,d,d] -> [E,d]
    # scatter_('mean', ...): segment sum divided by per-node in-degree (clamped to 1)
    sums = jax.ops.segment_sum(message, dst, num_segments=num_node)
    counts = jax.ops.segment_sum(jnp.ones((message.shape[0],), jnp.float32), dst, num_segments=num_node)
    mean = sums / jnp.clip(counts, 1.0, None)[:, None]
    return jax.nn.relu(mean + bias)

if __name__ == "__main__":
    import jax
    _d = setup_inputs()
    print(jax.jit(kernel)(*tuple(_d.values())))

</pallas_src>

<mosaic_0001>
#map = affine_map<(d0, d1) -> (0, 0)>
#map1 = affine_map<(d0, d1) -> (0, 0, 0)>
module attributes {stable_mosaic.version = 14 : i64} {
  func.func @_gather_body(%arg0: i32, %arg1: i32, %arg2: memref<10000x32xf32, #tpu.memory_space<hbm>>, %arg3: memref<125x10x128xi32, #tpu.memory_space<hbm>>, %arg4: memref<160000x32xf32, #tpu.memory_space<hbm>>, %arg5: memref<10x128xi32, #tpu.memory_space<vmem>>, %arg6: memref<1280x32xf32, #tpu.memory_space<vmem>>, %arg7: memref<!tpu.dma_semaphore, #tpu.memory_space<semaphore_mem>>) attributes {dimension_semantics = [#tpu.dimension_semantics<core_parallel>, #tpu.dimension_semantics<subcore_parallel>], iteration_bounds = array<i64: 2, 16>, scalar_prefetch = 0 : i64, scratch_operands = 3 : i64, tpu.core_type = #tpu.core_type<sc_vector_subcore>, window_params = [{transform_indices = #map}, {transform_indices = #map1}, {transform_indices = #map}]} {
    %mul3A = arith.constant 16 : i32
    %mul3A_0 = arith.muli %arg0, %mul3A : i32
    %add3A = arith.addi %mul3A_0, %arg1 : i32
    %scan3A = arith.constant 0 : i32
    %scan3A_1 = arith.constant 4 : i32
    %scan3A_2 = arith.addi %scan3A, %scan3A_1 : i32
    %scan3A_3 = arith.constant 1 : i32
    scf.for %scan3A_5 = %scan3A to %scan3A_2 step %scan3A_3  : i32 {
      %mul3A_6 = arith.constant 32 : i32
      %mul3A_7 = arith.muli %scan3A_5, %mul3A_6 : i32
      %add3A_8 = arith.addi %add3A, %mul3A_7 : i32
      %lt3A = arith.constant 125 : i32
      %lt3A_9 = arith.cmpi slt, %add3A_8, %lt3A : i32
      %convert_element_type3A = arith.extui %lt3A_9 : i1 to i32
      %cond3A = arith.constant 0 : i32
      %cond3A_10 = arith.cmpi ne, %convert_element_type3A, %cond3A : i32
      scf.if %cond3A_10 {
        "tpu.region"() ({
          %run_scoped3A = tpu.sem_alloc : memref<!tpu.dma_semaphore, #tpu.memory_space<semaphore_mem>>
          %dma_start3A_211 = arith.constant 0 : i32
          %dma_start3A_212 = arith.constant 0 : i32
          %dma_start3A_213 = tpu.memref_slice %arg3[%add3A_8, %dma_start3A_211, %dma_start3A_212] : memref<125x10x128xi32, #tpu.memory_space<hbm>> -> memref<1x10x128xi32, #tpu.memory_space<hbm>>
          %dma_start3A_214 = tpu.memref_squeeze %dma_start3A_213 : memref<1x10x128xi32, #tpu.memory_space<hbm>> -> memref<10x128xi32, #tpu.memory_space<hbm>>
          %dma_start3A_215 = arith.constant 0 : i32
          %dma_start3A_216 = arith.constant 0 : i32
          %dma_start3A_217 = tpu.memref_slice %arg3[%add3A_8, %dma_start3A_215, %dma_start3A_216] : memref<125x10x128xi32, #tpu.memory_space<hbm>> -> memref<1x10x128xi32, #tpu.memory_space<hbm>>
          %dma_start3A_218 = tpu.memref_squeeze %dma_start3A_217 : memref<1x10x128xi32, #tpu.memory_space<hbm>> -> memref<10x128xi32, #tpu.memory_space<hbm>>
          tpu.enqueue_dma source(%dma_start3A_218 : memref<10x128xi32, #tpu.memory_space<hbm>>) target(%arg5 : memref<10x128xi32, #tpu.memory_space<vmem>>) target_semaphore(%run_scoped3A : memref<!tpu.dma_semaphore, #tpu.memory_space<semaphore_mem>>)
          %dma_wait3A_219 = arith.constant 0 : i32
          %dma_wait3A_220 = arith.constant 0 : i32
          %dma_wait3A_221 = tpu.memref_slice %arg3[%add3A_8, %dma_wait3A_219, %dma_wait3A_220] : memref<125x10x128xi32, #tpu.memory_space<hbm>> -> memref<1x10x128xi32, #tpu.memory_space<hbm>>
          %dma_wait3A_222 = tpu.memref_squeeze %dma_wait3A_221 : memref<1x10x128xi32, #tpu.memory_space<hbm>> -> memref<10x128xi32, #tpu.memory_space<hbm>>
          %dma_wait3A_223 = arith.constant 0 : i32
          %dma_wait3A_224 = arith.constant 0 : i32
          %dma_wait3A_225 = tpu.memref_slice %arg3[%add3A_8, %dma_wait3A_223, %dma_wait3A_224] : memref<125x10x128xi32, #tpu.memory_space<hbm>> -> memref<1x10x128xi32, #tpu.memory_space<hbm>>
          %dma_wait3A_226 = tpu.memref_squeeze %dma_wait3A_225 : memref<1x10x128xi32, #tpu.memory_space<hbm>> -> memref<10x128xi32, #tpu.memory_space<hbm>>
          tpu.wait_dma2 semaphore(%run_scoped3A : memref<!tpu.dma_semaphore, #tpu.memory_space<semaphore_mem>>) src(%dma_wait3A_226 : memref<10x128xi32, #tpu.memory_space<hbm>>) dst(%arg5 : memref<10x128xi32, #tpu.memory_space<vmem>>)
          tpu.yield
        }) : () -> ()
        %dma_start3A = arith.constant 0 : i32
        %dma_start3A_11 = arith.constant 0 : i32
        %dma_start3A_12 = arith.constant 0 : i32
        %dma_start3A_13 = tpu.memref_slice %arg6[%dma_start3A_11, %dma_start3A_12] : memref<1280x32xf32, #tpu.memory_space<vmem>> -> memref<128x32xf32, #tpu.memory_space<vmem>>
        %dma_start3A_14 = arith.constant 0 : i32
        %dma_start3A_15 = tpu.memref_slice %arg5[%dma_start3A, %dma_start3A_14] : memref<10x128xi32, #tpu.memory_space<vmem>> -> memref<1x128xi32, #tpu.memory_space<vmem>>
        %dma_start3A_16 = tpu.memref_squeeze %dma_start3A_15 : memref<1x128xi32, #tpu.memory_space<vmem>> -> memref<128xi32, #tpu.memory_space<vmem>>
        %dma_start3A_17 = arith.constant 0 : i32
        %dma_start3A_18 = arith.constant 0 : i32
        %dma_start3A_19 = tpu.memref_slice %arg2[%dma_start3A_17, %dma_start3A_18] : memref<10000x32xf32, #tpu.memory_space<hbm>> -> memref<10000x32xf32, #tpu.memory_space<hbm>>
        tpu.enqueue_indirect_dma source(%dma_start3A_19 : memref<10000x32xf32, #tpu.memory_space<hbm>>) target(%dma_start3A_13 : memref<128x32xf32, #tpu.memory_space<vmem>>) offsets(%dma_start3A_16 : memref<128xi32, #tpu.memory_space<vmem>>) semaphore(%arg7 : memref<!tpu.dma_semaphore, #tpu.memory_space<semaphore_mem>>)
        %dma_start3A_20 = arith.constant 1 : i32
        %dma_start3A_21 = arith.constant 128 : i32
        %dma_start3A_22 = arith.constant 0 : i32
        %dma_start3A_23 = tpu.memref_slice %arg6[%dma_start3A_21, %dma_start3A_22] : memref<1280x32xf32, #tpu.memory_space<vmem>> -> memref<128x32xf32, #tpu.memory_space<vmem>>
        %dma_start3A_24 = arith.constant 0 : i32
        %dma_start3A_25 = tpu.memref_slice %arg5[%dma_start3A_20, %dma_start3A_24] : memref<10x128xi32, #tpu.memory_space<vmem>> -> memref<1x128xi32, #tpu.memory_space<vmem>>
        %dma_start3A_26 = tpu.memref_squeeze %dma_start3A_25 : memref<1x128xi32, #tpu.memory_space<vmem>> -> memref<128xi32, #tpu.memory_space<vmem>>
        %dma_start3A_27 = arith.constant 0 : i32
        %dma_start3A_28 = arith.constant 0 : i32
        %dma_start3A_29 = tpu.memref_slice %arg2[%dma_start3A_27, %dma_start3A_28] : memref<10000x32xf32, #tpu.memory_space<hbm>> -> memref<10000x32xf32, #tpu.memory_space<hbm>>
        tpu.enqueue_indirect_dma source(%dma_start3A_29 : memref<10000x32xf32, #tpu.memory_space<hbm>>) target(%dma_start3A_23 : memref<128x32xf32, #tpu.memory_space<vmem>>) offsets(%dma_start3A_26 : memref<128xi32, #tpu.memory_space<vmem>>) semaphore(%arg7 : memref<!tpu.dma_semaphore, #tpu.memory_space<semaphore_mem>>)
        %dma_start3A_30 = arith.constant 2 : i32
        %dma_start3A_31 = arith.constant 256 : i32
        %dma_start3A_32 = arith.constant 0 : i32
        %dma_start3A_33 = tpu.memref_slice %arg6[%dma_start3A_31, %dma_start3A_32] : memref<1280x32xf32, #tpu.memory_space<vmem>> -> memref<128x32xf32, #tpu.memory_space<vmem>>
        %dma_start3A_34 = arith.constant 0 : i32
        %dma_start3A_35 = tpu.memref_slice %arg5[%dma_start3A_30, %dma_start3A_34] : memref<10x128xi32, #tpu.memory_space<vmem>> -> memref<1x128xi32, #tpu.memory_space<vmem>>
        %dma_start3A_36 = tpu.memref_squeeze %dma_start3A_35 : memref<1x128xi32, #tpu.memory_space<vmem>> -> memref<128xi32, #tpu.memory_space<vmem>>
        %dma_start3A_37 = arith.constant 0 : i32
        %dma_start3A_38 = arith.constant 0 : i32
        %dma_start3A_39 = tpu.memref_slice %arg2[%dma_start3A_37, %dma_start3A_38] : memref<10000x32xf32, #tpu.memory_space<hbm>> -> memref<10000x32xf32, #tpu.memory_space<hbm>>
        tpu.enqueue_indirect_dma source(%dma_start3A_39 : memref<10000x32xf32, #tpu.memory_space<hbm>>) target(%dma_start3A_33 : memref<128x32xf32, #tpu.memory_space<vmem>>) offsets(%dma_start3A_36 : memref<128xi32, #tpu.memory_space<vmem>>) semaphore(%arg7 : memref<!tpu.dma_semaphore, #tpu.memory_space<semaphore_mem>>)
        %dma_start3A_40 = arith.constant 3 : i32
        %dma_start3A_41 = arith.constant 384 : i32
        %dma_start3A_42 = arith.constant 0 : i32
        %dma_start3A_43 = tpu.memref_slice %arg6[%dma_start3A_41, %dma_start3A_42] : memref<1280x32xf32, #tpu.memory_space<vmem>> -> memref<128x32xf32, #tpu.memory_space<vmem>>
        %dma_start3A_44 = arith.constant 0 : i32
        %dma_start3A_45 = tpu.memref_slice %arg5[%dma_start3A_40, %dma_start3A_44] : memref<10x128xi32, #tpu.memory_space<vmem>> -> memref<1x128xi32, #tpu.memory_space<vmem>>
        %dma_start3A_46 = tpu.memref_squeeze %dma_start3A_45 : memref<1x128xi32, #tpu.memory_space<vmem>> -> memref<128xi32, #tpu.memory_space<vmem>>
        %dma_start3A_47 = arith.constant 0 : i32
        %dma_start3A_48 = arith.constant 0 : i32
        %dma_start3A_49 = tpu.memref_slice %arg2[%dma_start3A_47, %dma_start3A_48] : memref<10000x32xf32, #tpu.memory_space<hbm>> -> memref<10000x32xf32, #tpu.memory_space<hbm>>
        tpu.enqueue_indirect_dma source(%dma_start3A_49 : memref<10000x32xf32, #tpu.memory_space<hbm>>) target(%dma_start3A_43 : memref<128x32xf32, #tpu.memory_space<vmem>>) offsets(%dma_start3A_46 : memref<128xi32, #tpu.memory_space<vmem>>) semaphore(%arg7 : memref<!tpu.dma_semaphore, #tpu.memory_space<semaphore_mem>>)
        %dma_start3A_50 = arith.constant 4 : i32
        %dma_start3A_51 = arith.constant 512 : i32
        %dma_start3A_52 = arith.constant 0 : i32
        %dma_start3A_53 = tpu.memref_slice %arg6[%dma_start3A_51, %dma_start3A_52] : memref<1280x32xf32, #tpu.memory_space<vmem>> -> memref<128x32xf32, #tpu.memory_space<vmem>>
        %dma_start3A_54 = arith.constant 0 : i32
        %dma_start3A_55 = tpu.memref_slice %arg5[%dma_start3A_50, %dma_start3A_54] : memref<10x128xi32, #tpu.memory_space<vmem>> -> memref<1x128xi32, #tpu.memory_space<vmem>>
        %dma_start3A_56 = tpu.memref_squeeze %dma_start3A_55 : memref<1x128xi32, #tpu.memory_space<vmem>> -> memref<128xi32, #tpu.memory_space<vmem>>
        %dma_start3A_57 = arith.constant 0 : i32
        %dma_start3A_58 = arith.constant 0 : i32
        %dma_start3A_59 = tpu.memref_slice %arg2[%dma_start3A_57, %dma_start3A_58] : memref<10000x32xf32, #tpu.memory_space<hbm>> -> memref<10000x32xf32, #tpu.memory_space<hbm>>
        tpu.enqueue_indirect_dma source(%dma_start3A_59 : memref<10000x32xf32, #tpu.memory_space<hbm>>) target(%dma_start3A_53 : memref<128x32xf32, #tpu.memory_space<vmem>>) offsets(%dma_start3A_56 : memref<128xi32, #tpu.memory_space<vmem>>) semaphore(%arg7 : memref<!tpu.dma_semaphore, #tpu.memory_space<semaphore_mem>>)
        %dma_start3A_60 = arith.constant 5 : i32
        %dma_start3A_61 = arith.constant 640 : i32
        %dma_start3A_62 = arith.constant 0 : i32
        %dma_start3A_63 = tpu.memref_slice %arg6[%dma_start3A_61, %dma_start3A_62] : memref<1280x32xf32, #tpu.memory_space<vmem>> -> memref<128x32xf32, #tpu.memory_space<vmem>>
        %dma_start3A_64 = arith.constant 0 : i32
        %dma_start3A_65 = tpu.memref_slice %arg5[%dma_start3A_60, %dma_start3A_64] : memref<10x128xi32, #tpu.memory_space<vmem>> -> memref<1x128xi32, #tpu.memory_space<vmem>>
        %dma_start3A_66 = tpu.memref_squeeze %dma_start3A_65 : memref<1x128xi32, #tpu.memory_space<vmem>> -> memref<128xi32, #tpu.memory_space<vmem>>
        %dma_start3A_67 = arith.constant 0 : i32
        %dma_start3A_68 = arith.constant 0 : i32
        %dma_start3A_69 = tpu.memref_slice %arg2[%dma_start3A_67, %dma_start3A_68] : memref<10000x32xf32, #tpu.memory_space<hbm>> -> memref<10000x32xf32, #tpu.memory_space<hbm>>
        tpu.enqueue_indirect_dma source(%dma_start3A_69 : memref<10000x32xf32, #tpu.memory_space<hbm>>) target(%dma_start3A_63 : memref<128x32xf32, #tpu.memory_space<vmem>>) offsets(%dma_start3A_66 : memref<128xi32, #tpu.memory_space<vmem>>) semaphore(%arg7 : memref<!tpu.dma_semaphore, #tpu.memory_space<semaphore_mem>>)
        %dma_start3A_70 = arith.constant 6 : i32
        %dma_start3A_71 = arith.constant 768 : i32
        %dma_start3A_72 = arith.constant 0 : i32
        %dma_start3A_73 = tpu.memref_slice %arg6[%dma_start3A_71, %dma_start3A_72] : memref<1280x32xf32, #tpu.memory_space<vmem>> -> memref<128x32xf32, #tpu.memory_space<vmem>>
        %dma_start3A_74 = arith.constant 0 : i32
        %dma_start3A_75 = tpu.memref_slice %arg5[%dma_start3A_70, %dma_start3A_74] : memref<10x128xi32, #tpu.memory_space<vmem>> -> memref<1x128xi32, #tpu.memory_space<vmem>>
        %dma_start3A_76 = tpu.memref_squeeze %dma_start3A_75 : memref<1x128xi32, #tpu.memory_space<vmem>> -> memref<128xi32, #tpu.memory_space<vmem>>
        %dma_start3A_77 = arith.constant 0 : i32
        %dma_start3A_78 = arith.constant 0 : i32
        %dma_start3A_79 = tpu.memref_slice %arg2[%dma_start3A_77, %dma_start3A_78] : memref<10000x32xf32, #tpu.memory_space<hbm>> -> memref<10000x32xf32, #tpu.memory_space<hbm>>
        tpu.enqueue_indirect_dma source(%dma_start3A_79 : memref<10000x32xf32, #tpu.memory_space<hbm>>) target(%dma_start3A_73 : memref<128x32xf32, #tpu.memory_space<vmem>>) offsets(%dma_start3A_76 : memref<128xi32, #tpu.memory_space<vmem>>) semaphore(%arg7 : memref<!tpu.dma_semaphore, #tpu.memory_space<semaphore_mem>>)
        %dma_start3A_80 = arith.constant 7 : i32
        %dma_start3A_81 = arith.constant 896 : i32
        %dma_start3A_82 = arith.constant 0 : i32
        %dma_start3A_83 = tpu.memref_slice %arg6[%dma_start3A_81, %dma_start3A_82] : memref<1280x32xf32, #tpu.memory_space<vmem>> -> memref<128x32xf32, #tpu.memory_space<vmem>>
        %dma_start3A_84 = arith.constant 0 : i32
        %dma_start3A_85 = tpu.memref_slice %arg5[%dma_start3A_80, %dma_start3A_84] : memref<10x128xi32, #tpu.memory_space<vmem>> -> memref<1x128xi32, #tpu.memory_space<vmem>>
        %dma_start3A_86 = tpu.memref_squeeze %dma_start3A_85 : memref<1x128xi32, #tpu.memory_space<vmem>> -> memref<128xi32, #tpu.memory_space<vmem>>
        %dma_start3A_87 = arith.constant 0 : i32
        %dma_start3A_88 = arith.constant 0 : i32
        %dma_start3A_89 = tpu.memref_slice %arg2[%dma_start3A_87, %dma_start3A_88] : memref<10000x32xf32, #tpu.memory_space<hbm>> -> memref<10000x32xf32, #tpu.memory_space<hbm>>
        tpu.enqueue_indirect_dma source(%dma_start3A_89 : memref<10000x32xf32, #tpu.memory_space<hbm>>) target(%dma_start3A_83 : memref<128x32xf32, #tpu.memory_space<vmem>>) offsets(%dma_start3A_86 : memref<128xi32, #tpu.memory_space<vmem>>) semaphore(%arg7 : memref<!tpu.dma_semaphore, #tpu.memory_space<semaphore_mem>>)
        %dma_start3A_90 = arith.constant 8 : i32
        %dma_start3A_91 = arith.constant 1024 : i32
        %dma_start3A_92 = arith.constant 0 : i32
        %dma_start3A_93 = tpu.memref_slice %arg6[%dma_start3A_91, %dma_start3A_92] : memref<1280x32xf32, #tpu.memory_space<vmem>> -> memref<128x32xf32, #tpu.memory_space<vmem>>
        %dma_start3A_94 = arith.constant 0 : i32
        %dma_start3A_95 = tpu.memref_slice %arg5[%dma_start3A_90, %dma_start3A_94] : memref<10x128xi32, #tpu.memory_space<vmem>> -> memref<1x128xi32, #tpu.memory_space<vmem>>
        %dma_start3A_96 = tpu.memref_squeeze %dma_start3A_95 : memref<1x128xi32, #tpu.memory_space<vmem>> -> memref<128xi32, #tpu.memory_space<vmem>>
        %dma_start3A_97 = arith.constant 0 : i32
        %dma_start3A_98 = arith.constant 0 : i32
        %dma_start3A_99 = tpu.memref_slice %arg2[%dma_start3A_97, %dma_start3A_98] : memref<10000x32xf32, #tpu.memory_space<hbm>> -> memref<10000x32xf32, #tpu.memory_space<hbm>>
        tpu.enqueue_indirect_dma source(%dma_start3A_99 : memref<10000x32xf32, #tpu.memory_space<hbm>>) target(%dma_start3A_93 : memref<128x32xf32, #tpu.memory_space<vmem>>) offsets(%dma_start3A_96 : memref<128xi32, #tpu.memory_space<vmem>>) semaphore(%arg7 : memref<!tpu.dma_semaphore, #tpu.memory_space<semaphore_mem>>)
        %dma_start3A_100 = arith.constant 9 : i32
        %dma_start3A_101 = arith.constant 1152 : i32
        %dma_start3A_102 = arith.constant 0 : i32
        %dma_start3A_103 = tpu.memref_slice %arg6[%dma_start3A_101, %dma_start3A_102] : memref<1280x32xf32, #tpu.memory_space<vmem>> -> memref<128x32xf32, #tpu.memory_space<vmem>>
        %dma_start3A_104 = arith.constant 0 : i32
        %dma_start3A_105 = tpu.memref_slice %arg5[%dma_start3A_100, %dma_start3A_104] : memref<10x128xi32, #tpu.memory_space<vmem>> -> memref<1x128xi32, #tpu.memory_space<vmem>>
        %dma_start3A_106 = tpu.memref_squeeze %dma_start3A_105 : memref<1x128xi32, #tpu.memory_space<vmem>> -> memref<128xi32, #tpu.memory_space<vmem>>
        %dma_start3A_107 = arith.constant 0 : i32
        %dma_start3A_108 = arith.constant 0 : i32
        %dma_start3A_109 = tpu.memref_slice %arg2[%dma_start3A_107, %dma_start3A_108] : memref<10000x32xf32, #tpu.memory_space<hbm>> -> memref<10000x32xf32, #tpu.memory_space<hbm>>
        tpu.enqueue_indirect_dma source(%dma_start3A_109 : memref<10000x32xf32, #tpu.memory_space<hbm>>) target(%dma_start3A_103 : memref<128x32xf32, #tpu.memory_space<vmem>>) offsets(%dma_start3A_106 : memref<128xi32, #tpu.memory_space<vmem>>) semaphore(%arg7 : memref<!tpu.dma_semaphore, #tpu.memory_space<semaphore_mem>>)
        %dma_wait3A = arith.constant 0 : i32
        %dma_wait3A_110 = arith.constant 0 : i32
        %dma_wait3A_111 = arith.constant 0 : i32
        %dma_wait3A_112 = tpu.memref_slice %arg6[%dma_wait3A_110, %dma_wait3A_111] : memref<1280x32xf32, #tpu.memory_space<vmem>> -> memref<128x32xf32, #tpu.memory_space<vmem>>
        %dma_wait3A_113 = arith.constant 0 : i32
        %dma_wait3A_114 = tpu.memref_slice %arg5[%dma_wait3A, %dma_wait3A_113] : memref<10x128xi32, #tpu.memory_space<vmem>> -> memref<1x128xi32, #tpu.memory_space<vmem>>
        %dma_wait3A_115 = tpu.memref_squeeze %dma_wait3A_114 : memref<1x128xi32, #tpu.memory_space<vmem>> -> memref<128xi32, #tpu.memory_space<vmem>>
        %dma_wait3A_116 = arith.constant 0 : i32
        %dma_wait3A_117 = arith.constant 0 : i32
        %dma_wait3A_118 = tpu.memref_slice %arg2[%dma_wait3A_116, %dma_wait3A_117] : memref<10000x32xf32, #tpu.memory_space<hbm>> -> memref<10000x32xf32, #tpu.memory_space<hbm>>
        tpu.wait_indirect_dma semaphore(%arg7 : memref<!tpu.dma_semaphore, #tpu.memory_space<semaphore_mem>>) src(%dma_wait3A_118 : memref<10000x32xf32, #tpu.memory_space<hbm>>) dst(%dma_wait3A_112 : memref<128x32xf32, #tpu.memory_space<vmem>>)
        %dma_wait3A_119 = arith.constant 1 : i32
        %dma_wait3A_120 = arith.constant 128 : i32
        %dma_wait3A_121 = arith.constant 0 : i32
        %dma_wait3A_122 = tpu.memref_slice %arg6[%dma_wait3A_120, %dma_wait3A_121] : memref<1280x32xf32, #tpu.memory_space<vmem>> -> memref<128x32xf32, #tpu.memory_space<vmem>>
        %dma_wait3A_123 = arith.constant 0 : i32
        %dma_wait3A_124 = tpu.memref_slice %arg5[%dma_wait3A_119, %dma_wait3A_123] : memref<10x128xi32, #tpu.memory_space<vmem>> -> memref<1x128xi32, #tpu.memory_space<vmem>>
        %dma_wait3A_125 = tpu.memref_squeeze %dma_wait3A_124 : memref<1x128xi32, #tpu.memory_space<vmem>> -> memref<128xi32, #tpu.memory_space<vmem>>
        %dma_wait3A_126 = arith.constant 0 : i32
        %dma_wait3A_127 = arith.constant 0 : i32
        %dma_wait3A_128 = tpu.memref_slice %arg2[%dma_wait3A_126, %dma_wait3A_127] : memref<10000x32xf32, #tpu.memory_space<hbm>> -> memref<10000x32xf32, #tpu.memory_space<hbm>>
        tpu.wait_indirect_dma semaphore(%arg7 : memref<!tpu.dma_semaphore, #tpu.memory_space<semaphore_mem>>) src(%dma_wait3A_128 : memref<10000x32xf32, #tpu.memory_space<hbm>>) dst(%dma_wait3A_122 : memref<128x32xf32, #tpu.memory_space<vmem>>)
        %dma_wait3A_129 = arith.constant 2 : i32
        %dma_wait3A_130 = arith.constant 256 : i32
        %dma_wait3A_131 = arith.constant 0 : i32
        %dma_wait3A_132 = tpu.memref_slice %arg6[%dma_wait3A_130, %dma_wait3A_131] : memref<1280x32xf32, #tpu.memory_space<vmem>> -> memref<128x32xf32, #tpu.memory_space<vmem>>
        %dma_wait3A_133 = arith.constant 0 : i32
        %dma_wait3A_134 = tpu.memref_slice %arg5[%dma_wait3A_129, %dma_wait3A_133] : memref<10x128xi32, #tpu.memory_space<vmem>> -> memref<1x128xi32, #tpu.memory_space<vmem>>
        %dma_wait3A_135 = tpu.memref_squeeze %dma_wait3A_134 : memref<1x128xi32, #tpu.memory_space<vmem>> -> memref<128xi32, #tpu.memory_space<vmem>>
        %dma_wait3A_136 = arith.constant 0 : i32
        %dma_wait3A_137 = arith.constant 0 : i32
        %dma_wait3A_138 = tpu.memref_slice %arg2[%dma_wait3A_136, %dma_wait3A_137] : memref<10000x32xf32, #tpu.memory_space<hbm>> -> memref<10000x32xf32, #tpu.memory_space<hbm>>
        tpu.wait_indirect_dma semaphore(%arg7 : memref<!tpu.dma_semaphore, #tpu.memory_space<semaphore_mem>>) src(%dma_wait3A_138 : memref<10000x32xf32, #tpu.memory_space<hbm>>) dst(%dma_wait3A_132 : memref<128x32xf32, #tpu.memory_space<vmem>>)
        %dma_wait3A_139 = arith.constant 3 : i32
        %dma_wait3A_140 = arith.constant 384 : i32
        %dma_wait3A_141 = arith.constant 0 : i32
        %dma_wait3A_142 = tpu.memref_slice %arg6[%dma_wait3A_140, %dma_wait3A_141] : memref<1280x32xf32, #tpu.memory_space<vmem>> -> memref<128x32xf32, #tpu.memory_space<vmem>>
        %dma_wait3A_143 = arith.constant 0 : i32
        %dma_wait3A_144 = tpu.memref_slice %arg5[%dma_wait3A_139, %dma_wait3A_143] : memref<10x128xi32, #tpu.memory_space<vmem>> -> memref<1x128xi32, #tpu.memory_space<vmem>>
        %dma_wait3A_145 = tpu.memref_squeeze %dma_wait3A_144 : memref<1x128xi32, #tpu.memory_space<vmem>> -> memref<128xi32, #tpu.memory_space<vmem>>
        %dma_wait3A_146 = arith.constant 0 : i32
        %dma_wait3A_147 = arith.constant 0 : i32
        %dma_wait3A_148 = tpu.memref_slice %arg2[%dma_wait3A_146, %dma_wait3A_147] : memref<10000x32xf32, #tpu.memory_space<hbm>> -> memref<10000x32xf32, #tpu.memory_space<hbm>>
        tpu.wait_indirect_dma semaphore(%arg7 : memref<!tpu.dma_semaphore, #tpu.memory_space<semaphore_mem>>) src(%dma_wait3A_148 : memref<10000x32xf32, #tpu.memory_space<hbm>>) dst(%dma_wait3A_142 : memref<128x32xf32, #tpu.memory_space<vmem>>)
        %dma_wait3A_149 = arith.constant 4 : i32
        %dma_wait3A_150 = arith.constant 512 : i32
        %dma_wait3A_151 = arith.constant 0 : i32
        %dma_wait3A_152 = tpu.memref_slice %arg6[%dma_wait3A_150, %dma_wait3A_151] : memref<1280x32xf32, #tpu.memory_space<vmem>> -> memref<128x32xf32, #tpu.memory_space<vmem>>
        %dma_wait3A_153 = arith.constant 0 : i32
        %dma_wait3A_154 = tpu.memref_slice %arg5[%dma_wait3A_149, %dma_wait3A_153] : memref<10x128xi32, #tpu.memory_space<vmem>> -> memref<1x128xi32, #tpu.memory_space<vmem>>
        %dma_wait3A_155 = tpu.memref_squeeze %dma_wait3A_154 : memref<1x128xi32, #tpu.memory_space<vmem>> -> memref<128xi32, #tpu.memory_space<vmem>>
        %dma_wait3A_156 = arith.constant 0 : i32
        %dma_wait3A_157 = arith.constant 0 : i32
        %dma_wait3A_158 = tpu.memref_slice %arg2[%dma_wait3A_156, %dma_wait3A_157] : memref<10000x32xf32, #tpu.memory_space<hbm>> -> memref<10000x32xf32, #tpu.memory_space<hbm>>
        tpu.wait_indirect_dma semaphore(%arg7 : memref<!tpu.dma_semaphore, #tpu.memory_space<semaphore_mem>>) src(%dma_wait3A_158 : memref<10000x32xf32, #tpu.memory_space<hbm>>) dst(%dma_wait3A_152 : memref<128x32xf32, #tpu.memory_space<vmem>>)
        %dma_wait3A_159 = arith.constant 5 : i32
        %dma_wait3A_160 = arith.constant 640 : i32
        %dma_wait3A_161 = arith.constant 0 : i32
        %dma_wait3A_162 = tpu.memref_slice %arg6[%dma_wait3A_160, %dma_wait3A_161] : memref<1280x32xf32, #tpu.memory_space<vmem>> -> memref<128x32xf32, #tpu.memory_space<vmem>>
        %dma_wait3A_163 = arith.constant 0 : i32
        %dma_wait3A_164 = tpu.memref_slice %arg5[%dma_wait3A_159, %dma_wait3A_163] : memref<10x128xi32, #tpu.memory_space<vmem>> -> memref<1x128xi32, #tpu.memory_space<vmem>>
        %dma_wait3A_165 = tpu.memref_squeeze %dma_wait3A_164 : memref<1x128xi32, #tpu.memory_space<vmem>> -> memref<128xi32, #tpu.memory_space<vmem>>
        %dma_wait3A_166 = arith.constant 0 : i32
        %dma_wait3A_167 = arith.constant 0 : i32
        %dma_wait3A_168 = tpu.memref_slice %arg2[%dma_wait3A_166, %dma_wait3A_167] : memref<10000x32xf32, #tpu.memory_space<hbm>> -> memref<10000x32xf32, #tpu.memory_space<hbm>>
        tpu.wait_indirect_dma semaphore(%arg7 : memref<!tpu.dma_semaphore, #tpu.memory_space<semaphore_mem>>) src(%dma_wait3A_168 : memref<10000x32xf32, #tpu.memory_space<hbm>>) dst(%dma_wait3A_162 : memref<128x32xf32, #tpu.memory_space<vmem>>)
        %dma_wait3A_169 = arith.constant 6 : i32
        %dma_wait3A_170 = arith.constant 768 : i32
        %dma_wait3A_171 = arith.constant 0 : i32
        %dma_wait3A_172 = tpu.memref_slice %arg6[%dma_wait3A_170, %dma_wait3A_171] : memref<1280x32xf32, #tpu.memory_space<vmem>> -> memref<128x32xf32, #tpu.memory_space<vmem>>
        %dma_wait3A_173 = arith.constant 0 : i32
        %dma_wait3A_174 = tpu.memref_slice %arg5[%dma_wait3A_169, %dma_wait3A_173] : memref<10x128xi32, #tpu.memory_space<vmem>> -> memref<1x128xi32, #tpu.memory_space<vmem>>
        %dma_wait3A_175 = tpu.memref_squeeze %dma_wait3A_174 : memref<1x128xi32, #tpu.memory_space<vmem>> -> memref<128xi32, #tpu.memory_space<vmem>>
        %dma_wait3A_176 = arith.constant 0 : i32
        %dma_wait3A_177 = arith.constant 0 : i32
        %dma_wait3A_178 = tpu.memref_slice %arg2[%dma_wait3A_176, %dma_wait3A_177] : memref<10000x32xf32, #tpu.memory_space<hbm>> -> memref<10000x32xf32, #tpu.memory_space<hbm>>
        tpu.wait_indirect_dma semaphore(%arg7 : memref<!tpu.dma_semaphore, #tpu.memory_space<semaphore_mem>>) src(%dma_wait3A_178 : memref<10000x32xf32, #tpu.memory_space<hbm>>) dst(%dma_wait3A_172 : memref<128x32xf32, #tpu.memory_space<vmem>>)
        %dma_wait3A_179 = arith.constant 7 : i32
        %dma_wait3A_180 = arith.constant 896 : i32
        %dma_wait3A_181 = arith.constant 0 : i32
        %dma_wait3A_182 = tpu.memref_slice %arg6[%dma_wait3A_180, %dma_wait3A_181] : memref<1280x32xf32, #tpu.memory_space<vmem>> -> memref<128x32xf32, #tpu.memory_space<vmem>>
        %dma_wait3A_183 = arith.constant 0 : i32
        %dma_wait3A_184 = tpu.memref_slice %arg5[%dma_wait3A_179, %dma_wait3A_183] : memref<10x128xi32, #tpu.memory_space<vmem>> -> memref<1x128xi32, #tpu.memory_space<vmem>>
        %dma_wait3A_185 = tpu.memref_squeeze %dma_wait3A_184 : memref<1x128xi32, #tpu.memory_space<vmem>> -> memref<128xi32, #tpu.memory_space<vmem>>
        %dma_wait3A_186 = arith.constant 0 : i32
        %dma_wait3A_187 = arith.constant 0 : i32
        %dma_wait3A_188 = tpu.memref_slice %arg2[%dma_wait3A_186, %dma_wait3A_187] : memref<10000x32xf32, #tpu.memory_space<hbm>> -> memref<10000x32xf32, #tpu.memory_space<hbm>>
        tpu.wait_indirect_dma semaphore(%arg7 : memref<!tpu.dma_semaphore, #tpu.memory_space<semaphore_mem>>) src(%dma_wait3A_188 : memref<10000x32xf32, #tpu.memory_space<hbm>>) dst(%dma_wait3A_182 : memref<128x32xf32, #tpu.memory_space<vmem>>)
        %dma_wait3A_189 = arith.constant 8 : i32
        %dma_wait3A_190 = arith.constant 1024 : i32
        %dma_wait3A_191 = arith.constant 0 : i32
        %dma_wait3A_192 = tpu.memref_slice %arg6[%dma_wait3A_190, %dma_wait3A_191] : memref<1280x32xf32, #tpu.memory_space<vmem>> -> memref<128x32xf32, #tpu.memory_space<vmem>>
        %dma_wait3A_193 = arith.constant 0 : i32
        %dma_wait3A_194 = tpu.memref_slice %arg5[%dma_wait3A_189, %dma_wait3A_193] : memref<10x128xi32, #tpu.memory_space<vmem>> -> memref<1x128xi32, #tpu.memory_space<vmem>>
        %dma_wait3A_195 = tpu.memref_squeeze %dma_wait3A_194 : memref<1x128xi32, #tpu.memory_space<vmem>> -> memref<128xi32, #tpu.memory_space<vmem>>
        %dma_wait3A_196 = arith.constant 0 : i32
        %dma_wait3A_197 = arith.constant 0 : i32
        %dma_wait3A_198 = tpu.memref_slice %arg2[%dma_wait3A_196, %dma_wait3A_197] : memref<10000x32xf32, #tpu.memory_space<hbm>> -> memref<10000x32xf32, #tpu.memory_space<hbm>>
        tpu.wait_indirect_dma semaphore(%arg7 : memref<!tpu.dma_semaphore, #tpu.memory_space<semaphore_mem>>) src(%dma_wait3A_198 : memref<10000x32xf32, #tpu.memory_space<hbm>>) dst(%dma_wait3A_192 : memref<128x32xf32, #tpu.memory_space<vmem>>)
        %dma_wait3A_199 = arith.constant 9 : i32
        %dma_wait3A_200 = arith.constant 1152 : i32
        %dma_wait3A_201 = arith.constant 0 : i32
        %dma_wait3A_202 = tpu.memref_slice %arg6[%dma_wait3A_200, %dma_wait3A_201] : memref<1280x32xf32, #tpu.memory_space<vmem>> -> memref<128x32xf32, #tpu.memory_space<vmem>>
        %dma_wait3A_203 = arith.constant 0 : i32
        %dma_wait3A_204 = tpu.memref_slice %arg5[%dma_wait3A_199, %dma_wait3A_203] : memref<10x128xi32, #tpu.memory_space<vmem>> -> memref<1x128xi32, #tpu.memory_space<vmem>>
        %dma_wait3A_205 = tpu.memref_squeeze %dma_wait3A_204 : memref<1x128xi32, #tpu.memory_space<vmem>> -> memref<128xi32, #tpu.memory_space<vmem>>
        %dma_wait3A_206 = arith.constant 0 : i32
        %dma_wait3A_207 = arith.constant 0 : i32
        %dma_wait3A_208 = tpu.memref_slice %arg2[%dma_wait3A_206, %dma_wait3A_207] : memref<10000x32xf32, #tpu.memory_space<hbm>> -> memref<10000x32xf32, #tpu.memory_space<hbm>>
        tpu.wait_indirect_dma semaphore(%arg7 : memref<!tpu.dma_semaphore, #tpu.memory_space<semaphore_mem>>) src(%dma_wait3A_208 : memref<10000x32xf32, #tpu.memory_space<hbm>>) dst(%dma_wait3A_202 : memref<128x32xf32, #tpu.memory_space<vmem>>)
        %mul3A_209 = arith.constant 1280 : i32
        %mul3A_210 = arith.muli %add3A_8, %mul3A_209 : i32
        "tpu.region"() ({
          %run_scoped3A = tpu.sem_alloc : memref<!tpu.dma_semaphore, #tpu.memory_space<semaphore_mem>>
          %dma_start3A_211 = arith.constant 0 : i32
          %dma_start3A_212 = tpu.memref_slice %arg4[%mul3A_210, %dma_start3A_211] : memref<160000x32xf32, #tpu.memory_space<hbm>> -> memref<1280x32xf32, #tpu.memory_space<hbm>>
          %dma_start3A_213 = arith.constant 0 : i32
          %dma_start3A_214 = tpu.memref_slice %arg4[%mul3A_210, %dma_start3A_213] : memref<160000x32xf32, #tpu.memory_space<hbm>> -> memref<1280x32xf32, #tpu.memory_space<hbm>>
          tpu.enqueue_dma source(%arg6 : memref<1280x32xf32, #tpu.memory_space<vmem>>) target(%dma_start3A_214 : memref<1280x32xf32, #tpu.memory_space<hbm>>) target_semaphore(%run_scoped3A : memref<!tpu.dma_semaphore, #tpu.memory_space<semaphore_mem>>)
          %dma_wait3A_215 = arith.constant 0 : i32
          %dma_wait3A_216 = tpu.memref_slice %arg4[%mul3A_210, %dma_wait3A_215] : memref<160000x32xf32, #tpu.memory_space<hbm>> -> memref<1280x32xf32, #tpu.memory_space<hbm>>
          %dma_wait3A_217 = arith.constant 0 : i32
          %dma_wait3A_218 = tpu.memref_slice %arg4[%mul3A_210, %dma_wait3A_217] : memref<160000x32xf32, #tpu.memory_space<hbm>> -> memref<1280x32xf32, #tpu.memory_space<hbm>>
          tpu.wait_dma2 semaphore(%run_scoped3A : memref<!tpu.dma_semaphore, #tpu.memory_space<semaphore_mem>>) src(%arg6 : memref<1280x32xf32, #tpu.memory_space<vmem>>) dst(%dma_wait3A_218 : memref<1280x32xf32, #tpu.memory_space<hbm>>)
          tpu.yield
        }) : () -> ()
      } else {
      }
    }
    %scan3A_4 = arith.constant 4 : i32
    return
  }
}

#map = affine_map<(d0, d1) -> (0, 0)>
#map1 = affine_map<(d0, d1) -> (0, 0, 0)>
module attributes {stable_mosaic.version = 14 : i64} {
  func.func @_scatter_body(%arg0: i32, %arg1: i32, %arg2: memref<160000x32xf32, #tpu.memory_space<hbm>>, %arg3: memref<125x10x128xi32, #tpu.memory_space<hbm>>, %arg4: memref<10000x32xf32, #tpu.memory_space<hbm>>, %arg5: memref<128x32xf32, #tpu.memory_space<hbm>>, %arg6: memref<2x10000x32xf32, #tpu.memory_space<hbm>>, %arg7: memref<2x10000x32xf32, #tpu.memory_space<hbm>>, %arg8: memref<10000x32xf32, #tpu.memory_space<vmem_shared>>, %arg9: memref<10000x32xf32, #tpu.memory_space<vmem_shared>>, %arg10: memref<10x128xi32, #tpu.memory_space<vmem>>, %arg11: memref<1280x32xf32, #tpu.memory_space<vmem>>, %arg12: memref<128x32xf32, #tpu.memory_space<vmem>>, %arg13: memref<625x32xf32, #tpu.memory_space<vmem>>, %arg14: memref<!tpu.dma_semaphore, #tpu.memory_space<semaphore_mem>>, %arg15: memref<!tpu.dma_semaphore, #tpu.memory_space<semaphore_mem>>) attributes {dimension_semantics = [#tpu.dimension_semantics<core_parallel>, #tpu.dimension_semantics<subcore_parallel>], iteration_bounds = array<i64: 2, 16>, scalar_prefetch = 0 : i64, scratch_operands = 8 : i64, tpu.core_type = #tpu.core_type<sc_vector_subcore>, window_params = [{transform_indices = #map}, {transform_indices = #map1}, {transform_indices = #map}, {transform_indices = #map}, {transform_indices = #map1}, {transform_indices = #map1}]} {
    %mul3A = arith.constant 16 : i32
    %mul3A_0 = arith.muli %arg0, %mul3A : i32
    %add3A = arith.addi %mul3A_0, %arg1 : i32
    %mul3A_1 = arith.constant 625 : i32
    %mul3A_2 = arith.muli %arg1, %mul3A_1 : i32
    "tpu.region"() ({
      %run_scoped3A = tpu.sem_alloc : memref<!tpu.dma_semaphore, #tpu.memory_space<semaphore_mem>>
      %dma_start3A = arith.constant 0 : i32
      %dma_start3A_8 = tpu.memref_slice %arg4[%mul3A_2, %dma_start3A] : memref<10000x32xf32, #tpu.memory_space<hbm>> -> memref<625x32xf32, #tpu.memory_space<hbm>>
      %dma_start3A_9 = arith.constant 0 : i32
      %dma_start3A_10 = tpu.memref_slice %arg4[%mul3A_2, %dma_start3A_9] : memref<10000x32xf32, #tpu.memory_space<hbm>> -> memref<625x32xf32, #tpu.memory_space<hbm>>
      tpu.enqueue_dma source(%dma_start3A_10 : memref<625x32xf32, #tpu.memory_space<hbm>>) target(%arg13 : memref<625x32xf32, #tpu.memory_space<vmem>>) target_semaphore(%run_scoped3A : memref<!tpu.dma_semaphore, #tpu.memory_space<semaphore_mem>>)
      %dma_wait3A = arith.constant 0 : i32
      %dma_wait3A_11 = tpu.memref_slice %arg4[%mul3A_2, %dma_wait3A] : memref<10000x32xf32, #tpu.memory_space<hbm>> -> memref<625x32xf32, #tpu.memory_space<hbm>>
      %dma_wait3A_12 = arith.constant 0 : i32
      %dma_wait3A_13 = tpu.memref_slice %arg4[%mul3A_2, %dma_wait3A_12] : memref<10000x32xf32, #tpu.memory_space<hbm>> -> memref<625x32xf32, #tpu.memory_space<hbm>>
      tpu.wait_dma2 semaphore(%run_scoped3A : memref<!tpu.dma_semaphore, #tpu.memory_space<semaphore_mem>>) src(%dma_wait3A_13 : memref<625x32xf32, #tpu.memory_space<hbm>>) dst(%arg13 : memref<625x32xf32, #tpu.memory_space<vmem>>)
      tpu.yield
    }) : () -> ()
    "tpu.region"() ({
      %run_scoped3A = tpu.sem_alloc : memref<!tpu.dma_semaphore, #tpu.memory_space<semaphore_mem>>
      %dma_start3A = arith.constant 0 : i32
      %dma_start3A_8 = tpu.memref_slice %arg8[%mul3A_2, %dma_start3A] : memref<10000x32xf32, #tpu.memory_space<vmem_shared>> -> memref<625x32xf32, #tpu.memory_space<vmem_shared>>
      %dma_start3A_9 = arith.constant 0 : i32
      %dma_start3A_10 = tpu.memref_slice %arg8[%mul3A_2, %dma_start3A_9] : memref<10000x32xf32, #tpu.memory_space<vmem_shared>> -> memref<625x32xf32, #tpu.memory_space<vmem_shared>>
      tpu.enqueue_dma source(%arg13 : memref<625x32xf32, #tpu.memory_space<vmem>>) target(%dma_start3A_10 : memref<625x32xf32, #tpu.memory_space<vmem_shared>>) target_semaphore(%run_scoped3A : memref<!tpu.dma_semaphore, #tpu.memory_space<semaphore_mem>>)
      %dma_wait3A = arith.constant 0 : i32
      %dma_wait3A_11 = tpu.memref_slice %arg8[%mul3A_2, %dma_wait3A] : memref<10000x32xf32, #tpu.memory_space<vmem_shared>> -> memref<625x32xf32, #tpu.memory_space<vmem_shared>>
      %dma_wait3A_12 = arith.constant 0 : i32
      %dma_wait3A_13 = tpu.memref_slice %arg8[%mul3A_2, %dma_wait3A_12] : memref<10000x32xf32, #tpu.memory_space<vmem_shared>> -> memref<625x32xf32, #tpu.memory_space<vmem_shared>>
      tpu.wait_dma2 semaphore(%run_scoped3A : memref<!tpu.dma_semaphore, #tpu.memory_space<semaphore_mem>>) src(%arg13 : memref<625x32xf32, #tpu.memory_space<vmem>>) dst(%dma_wait3A_13 : memref<625x32xf32, #tpu.memory_space<vmem_shared>>)
      tpu.yield
    }) : () -> ()
    "tpu.region"() ({
      %run_scoped3A = tpu.sem_alloc : memref<!tpu.dma_semaphore, #tpu.memory_space<semaphore_mem>>
      %dma_start3A = arith.constant 0 : i32
      %dma_start3A_8 = tpu.memref_slice %arg9[%mul3A_2, %dma_start3A] : memref<10000x32xf32, #tpu.memory_space<vmem_shared>> -> memref<625x32xf32, #tpu.memory_space<vmem_shared>>
      %dma_start3A_9 = arith.constant 0 : i32
      %dma_start3A_10 = tpu.memref_slice %arg9[%mul3A_2, %dma_start3A_9] : memref<10000x32xf32, #tpu.memory_space<vmem_shared>> -> memref<625x32xf32, #tpu.memory_space<vmem_shared>>
      tpu.enqueue_dma source(%arg13 : memref<625x32xf32, #tpu.memory_space<vmem>>) target(%dma_start3A_10 : memref<625x32xf32, #tpu.memory_space<vmem_shared>>) target_semaphore(%run_scoped3A : memref<!tpu.dma_semaphore, #tpu.memory_space<semaphore_mem>>)
      %dma_wait3A = arith.constant 0 : i32
      %dma_wait3A_11 = tpu.memref_slice %arg9[%mul3A_2, %dma_wait3A] : memref<10000x32xf32, #tpu.memory_space<vmem_shared>> -> memref<625x32xf32, #tpu.memory_space<vmem_shared>>
      %dma_wait3A_12 = arith.constant 0 : i32
      %dma_wait3A_13 = tpu.memref_slice %arg9[%mul3A_2, %dma_wait3A_12] : memref<10000x32xf32, #tpu.memory_space<vmem_shared>> -> memref<625x32xf32, #tpu.memory_space<vmem_shared>>
      tpu.wait_dma2 semaphore(%run_scoped3A : memref<!tpu.dma_semaphore, #tpu.memory_space<semaphore_mem>>) src(%arg13 : memref<625x32xf32, #tpu.memory_space<vmem>>) dst(%dma_wait3A_13 : memref<625x32xf32, #tpu.memory_space<vmem_shared>>)
      tpu.yield
    }) : () -> ()
    "tpu.region"() ({
      %run_scoped3A = tpu.sem_alloc : memref<!tpu.dma_semaphore, #tpu.memory_space<semaphore_mem>>
      tpu.enqueue_dma source(%arg5 : memref<128x32xf32, #tpu.memory_space<hbm>>) target(%arg12 : memref<128x32xf32, #tpu.memory_space<vmem>>) target_semaphore(%run_scoped3A : memref<!tpu.dma_semaphore, #tpu.memory_space<semaphore_mem>>)
      tpu.wait_dma2 semaphore(%run_scoped3A : memref<!tpu.dma_semaphore, #tpu.memory_space<semaphore_mem>>) src(%arg5 : memref<128x32xf32, #tpu.memory_space<hbm>>) dst(%arg12 : memref<128x32xf32, #tpu.memory_space<vmem>>)
      tpu.yield
    }) : () -> ()
    %barrier3A = arith.constant 0 : index
    tpu.barrier barrier_id(%barrier3A)
    %scan3A = arith.constant 0 : i32
    %scan3A_3 = arith.constant 4 : i32
    %scan3A_4 = arith.addi %scan3A, %scan3A_3 : i32
    %scan3A_5 = arith.constant 1 : i32
    scf.for %scan3A_8 = %scan3A to %scan3A_4 step %scan3A_5  : i32 {
      %mul3A_9 = arith.constant 32 : i32
      %mul3A_10 = arith.muli %scan3A_8, %mul3A_9 : i32
      %add3A_11 = arith.addi %add3A, %mul3A_10 : i32
      %lt3A = arith.constant 125 : i32
      %lt3A_12 = arith.cmpi slt, %add3A_11, %lt3A : i32
      %convert_element_type3A = arith.extui %lt3A_12 : i1 to i32
      %cond3A = arith.constant 0 : i32
      %cond3A_13 = arith.cmpi ne, %convert_element_type3A, %cond3A : i32
      scf.if %cond3A_13 {
        "tpu.region"() ({
          %run_scoped3A = tpu.sem_alloc : memref<!tpu.dma_semaphore, #tpu.memory_space<semaphore_mem>>
          %dma_start3A_354 = arith.constant 0 : i32
          %dma_start3A_355 = arith.constant 0 : i32
          %dma_start3A_356 = tpu.memref_slice %arg3[%add3A_11, %dma_start3A_354, %dma_start3A_355] : memref<125x10x128xi32, #tpu.memory_space<hbm>> -> memref<1x10x128xi32, #tpu.memory_space<hbm>>
          %dma_start3A_357 = tpu.memref_squeeze %dma_start3A_356 : memref<1x10x128xi32, #tpu.memory_space<hbm>> -> memref<10x128xi32, #tpu.memory_space<hbm>>
          %dma_start3A_358 = arith.constant 0 : i32
          %dma_start3A_359 = arith.constant 0 : i32
          %dma_start3A_360 = tpu.memref_slice %arg3[%add3A_11, %dma_start3A_358, %dma_start3A_359] : memref<125x10x128xi32, #tpu.memory_space<hbm>> -> memref<1x10x128xi32, #tpu.memory_space<hbm>>
          %dma_start3A_361 = tpu.memref_squeeze %dma_start3A_360 : memref<1x10x128xi32, #tpu.memory_space<hbm>> -> memref<10x128xi32, #tpu.memory_space<hbm>>
          tpu.enqueue_dma source(%dma_start3A_361 : memref<10x128xi32, #tpu.memory_space<hbm>>) target(%arg10 : memref<10x128xi32, #tpu.memory_space<vmem>>) target_semaphore(%run_scoped3A : memref<!tpu.dma_semaphore, #tpu.memory_space<semaphore_mem>>)
          %dma_wait3A_362 = arith.constant 0 : i32
          %dma_wait3A_363 = arith.constant 0 : i32
          %dma_wait3A_364 = tpu.memref_slice %arg3[%add3A_11, %dma_wait3A_362, %dma_wait3A_363] : memref<125x10x128xi32, #tpu.memory_space<hbm>> -> memref<1x10x128xi32, #tpu.memory_space<hbm>>
          %dma_wait3A_365 = tpu.memref_squeeze %dma_wait3A_364 : memref<1x10x128xi32, #tpu.memory_space<hbm>> -> memref<10x128xi32, #tpu.memory_space<hbm>>
          %dma_wait3A_366 = arith.constant 0 : i32
          %dma_wait3A_367 = arith.constant 0 : i32
          %dma_wait3A_368 = tpu.memref_slice %arg3[%add3A_11, %dma_wait3A_366, %dma_wait3A_367] : memref<125x10x128xi32, #tpu.memory_space<hbm>> -> memref<1x10x128xi32, #tpu.memory_space<hbm>>
          %dma_wait3A_369 = tpu.memref_squeeze %dma_wait3A_368 : memref<1x10x128xi32, #tpu.memory_space<hbm>> -> memref<10x128xi32, #tpu.memory_space<hbm>>
          tpu.wait_dma2 semaphore(%run_scoped3A : memref<!tpu.dma_semaphore, #tpu.memory_space<semaphore_mem>>) src(%dma_wait3A_369 : memref<10x128xi32, #tpu.memory_space<hbm>>) dst(%arg10 : memref<10x128xi32, #tpu.memory_space<vmem>>)
          tpu.yield
        }) : () -> ()
        %mul3A_14 = arith.constant 1280 : i32
        %mul3A_15 = arith.muli %add3A_11, %mul3A_14 : i32
        "tpu.region"() ({
          %run_scoped3A = tpu.sem_alloc : memref<!tpu.dma_semaphore, #tpu.memory_space<semaphore_mem>>
          %dma_start3A_354 = arith.constant 0 : i32
          %dma_start3A_355 = tpu.memref_slice %arg2[%mul3A_15, %dma_start3A_354] : memref<160000x32xf32, #tpu.memory_space<hbm>> -> memref<1280x32xf32, #tpu.memory_space<hbm>>
          %dma_start3A_356 = arith.constant 0 : i32
          %dma_start3A_357 = tpu.memref_slice %arg2[%mul3A_15, %dma_start3A_356] : memref<160000x32xf32, #tpu.memory_space<hbm>> -> memref<1280x32xf32, #tpu.memory_space<hbm>>
          tpu.enqueue_dma source(%dma_start3A_357 : memref<1280x32xf32, #tpu.memory_space<hbm>>) target(%arg11 : memref<1280x32xf32, #tpu.memory_space<vmem>>) target_semaphore(%run_scoped3A : memref<!tpu.dma_semaphore, #tpu.memory_space<semaphore_mem>>)
          %dma_wait3A_358 = arith.constant 0 : i32
          %dma_wait3A_359 = tpu.memref_slice %arg2[%mul3A_15, %dma_wait3A_358] : memref<160000x32xf32, #tpu.memory_space<hbm>> -> memref<1280x32xf32, #tpu.memory_space<hbm>>
          %dma_wait3A_360 = arith.constant 0 : i32
          %dma_wait3A_361 = tpu.memref_slice %arg2[%mul3A_15, %dma_wait3A_360] : memref<160000x32xf32, #tpu.memory_space<hbm>> -> memref<1280x32xf32, #tpu.memory_space<hbm>>
          tpu.wait_dma2 semaphore(%run_scoped3A : memref<!tpu.dma_semaphore, #tpu.memory_space<semaphore_mem>>) src(%dma_wait3A_361 : memref<1280x32xf32, #tpu.memory_space<hbm>>) dst(%arg11 : memref<1280x32xf32, #tpu.memory_space<vmem>>)
          tpu.yield
        }) : () -> ()
        %dma_start3A = arith.constant 0 : i32
        %dma_start3A_16 = arith.constant 0 : i32
        %dma_start3A_17 = arith.constant 0 : i32
        %dma_start3A_18 = tpu.memref_slice %arg11[%dma_start3A_16, %dma_start3A_17] : memref<1280x32xf32, #tpu.memory_space<vmem>> -> memref<128x32xf32, #tpu.memory_space<vmem>>
        %dma_start3A_19 = arith.constant 0 : i32
        %dma_start3A_20 = tpu.memref_slice %arg10[%dma_start3A, %dma_start3A_19] : memref<10x128xi32, #tpu.memory_space<vmem>> -> memref<1x128xi32, #tpu.memory_space<vmem>>
        %dma_start3A_21 = tpu.memref_squeeze %dma_start3A_20 : memref<1x128xi32, #tpu.memory_space<vmem>> -> memref<128xi32, #tpu.memory_space<vmem>>
        %dma_start3A_22 = arith.constant 0 : i32
        %dma_start3A_23 = arith.constant 0 : i32
        %dma_start3A_24 = tpu.memref_slice %arg8[%dma_start3A_22, %dma_start3A_23] : memref<10000x32xf32, #tpu.memory_space<vmem_shared>> -> memref<10000x32xf32, #tpu.memory_space<vmem_shared>>
        tpu.enqueue_indirect_dma source(%dma_start3A_18 : memref<128x32xf32, #tpu.memory_space<vmem>>) target(%dma_start3A_24 : memref<10000x32xf32, #tpu.memory_space<vmem_shared>>) offsets(%dma_start3A_21 : memref<128xi32, #tpu.memory_space<vmem>>) semaphore(%arg14 : memref<!tpu.dma_semaphore, #tpu.memory_space<semaphore_mem>>) {add = true}
        %dma_start3A_25 = arith.constant 0 : i32
        %dma_start3A_26 = arith.constant 0 : i32
        %dma_start3A_27 = tpu.memref_slice %arg10[%dma_start3A_25, %dma_start3A_26] : memref<10x128xi32, #tpu.memory_space<vmem>> -> memref<1x128xi32, #tpu.memory_space<vmem>>
        %dma_start3A_28 = tpu.memref_squeeze %dma_start3A_27 : memref<1x128xi32, #tpu.memory_space<vmem>> -> memref<128xi32, #tpu.memory_space<vmem>>
        %dma_start3A_29 = arith.constant 0 : i32
        %dma_start3A_30 = arith.constant 0 : i32
        %dma_start3A_31 = tpu.memref_slice %arg9[%dma_start3A_29, %dma_start3A_30] : memref<10000x32xf32, #tpu.memory_space<vmem_shared>> -> memref<10000x32xf32, #tpu.memory_space<vmem_shared>>
        tpu.enqueue_indirect_dma source(%arg12 : memref<128x32xf32, #tpu.memory_space<vmem>>) target(%dma_start3A_31 : memref<10000x32xf32, #tpu.memory_space<vmem_shared>>) offsets(%dma_start3A_28 : memref<128xi32, #tpu.memory_space<vmem>>) semaphore(%arg15 : memref<!tpu.dma_semaphore, #tpu.memory_space<semaphore_mem>>) {add = true}
        %dma_start3A_32 = arith.constant 1 : i32
        %dma_start3A_33 = arith.constant 128 : i32
        %dma_start3A_34 = arith.constant 0 : i32
        %dma_start3A_35 = tpu.memref_slice %arg11[%dma_start3A_33, %dma_start3A_34] : memref<1280x32xf32, #tpu.memory_space<vmem>> -> memref<128x32xf32, #tpu.memory_space<vmem>>
        %dma_start3A_36 = arith.constant 0 : i32
        %dma_start3A_37 = tpu.memref_slice %arg10[%dma_start3A_32, %dma_start3A_36] : memref<10x128xi32, #tpu.memory_space<vmem>> -> memref<1x128xi32, #tpu.memory_space<vmem>>
        %dma_start3A_38 = tpu.memref_squeeze %dma_start3A_37 : memref<1x128xi32, #tpu.memory_space<vmem>> -> memref<128xi32, #tpu.memory_space<vmem>>
        %dma_start3A_39 = arith.constant 0 : i32
        %dma_start3A_40 = arith.constant 0 : i32
        %dma_start3A_41 = tpu.memref_slice %arg8[%dma_start3A_39, %dma_start3A_40] : memref<10000x32xf32, #tpu.memory_space<vmem_shared>> -> memref<10000x32xf32, #tpu.memory_space<vmem_shared>>
        tpu.enqueue_indirect_dma source(%dma_start3A_35 : memref<128x32xf32, #tpu.memory_space<vmem>>) target(%dma_start3A_41 : memref<10000x32xf32, #tpu.memory_space<vmem_shared>>) offsets(%dma_start3A_38 : memref<128xi32, #tpu.memory_space<vmem>>) semaphore(%arg14 : memref<!tpu.dma_semaphore, #tpu.memory_space<semaphore_mem>>) {add = true}
        %dma_start3A_42 = arith.constant 1 : i32
        %dma_start3A_43 = arith.constant 0 : i32
        %dma_start3A_44 = tpu.memref_slice %arg10[%dma_start3A_42, %dma_start3A_43] : memref<10x128xi32, #tpu.memory_space<vmem>> -> memref<1x128xi32, #tpu.memory_space<vmem>>
        %dma_start3A_45 = tpu.memref_squeeze %dma_start3A_44 : memref<1x128xi32, #tpu.memory_space<vmem>> -> memref<128xi32, #tpu.memory_space<vmem>>
        %dma_start3A_46 = arith.constant 0 : i32
        %dma_start3A_47 = arith.constant 0 : i32
        %dma_start3A_48 = tpu.memref_slice %arg9[%dma_start3A_46, %dma_start3A_47] : memref<10000x32xf32, #tpu.memory_space<vmem_shared>> -> memref<10000x32xf32, #tpu.memory_space<vmem_shared>>
        tpu.enqueue_indirect_dma source(%arg12 : memref<128x32xf32, #tpu.memory_space<vmem>>) target(%dma_start3A_48 : memref<10000x32xf32, #tpu.memory_space<vmem_shared>>) offsets(%dma_start3A_45 : memref<128xi32, #tpu.memory_space<vmem>>) semaphore(%arg15 : memref<!tpu.dma_semaphore, #tpu.memory_space<semaphore_mem>>) {add = true}
        %dma_start3A_49 = arith.constant 2 : i32
        %dma_start3A_50 = arith.constant 256 : i32
        %dma_start3A_51 = arith.constant 0 : i32
        %dma_start3A_52 = tpu.memref_slice %arg11[%dma_start3A_50, %dma_start3A_51] : memref<1280x32xf32, #tpu.memory_space<vmem>> -> memref<128x32xf32, #tpu.memory_space<vmem>>
        %dma_start3A_53 = arith.constant 0 : i32
        %dma_start3A_54 = tpu.memref_slice %arg10[%dma_start3A_49, %dma_start3A_53] : memref<10x128xi32, #tpu.memory_space<vmem>> -> memref<1x128xi32, #tpu.memory_space<vmem>>
        %dma_start3A_55 = tpu.memref_squeeze %dma_start3A_54 : memref<1x128xi32, #tpu.memory_space<vmem>> -> memref<128xi32, #tpu.memory_space<vmem>>
        %dma_start3A_56 = arith.constant 0 : i32
        %dma_start3A_57 = arith.constant 0 : i32
        %dma_start3A_58 = tpu.memref_slice %arg8[%dma_start3A_56, %dma_start3A_57] : memref<10000x32xf32, #tpu.memory_space<vmem_shared>> -> memref<10000x32xf32, #tpu.memory_space<vmem_shared>>
        tpu.enqueue_indirect_dma source(%dma_start3A_52 : memref<128x32xf32, #tpu.memory_space<vmem>>) target(%dma_start3A_58 : memref<10000x32xf32, #tpu.memory_space<vmem_shared>>) offsets(%dma_start3A_55 : memref<128xi32, #tpu.memory_space<vmem>>) semaphore(%arg14 : memref<!tpu.dma_semaphore, #tpu.memory_space<semaphore_mem>>) {add = true}
        %dma_start3A_59 = arith.constant 2 : i32
        %dma_start3A_60 = arith.constant 0 : i32
        %dma_start3A_61 = tpu.memref_slice %arg10[%dma_start3A_59, %dma_start3A_60] : memref<10x128xi32, #tpu.memory_space<vmem>> -> memref<1x128xi32, #tpu.memory_space<vmem>>
        %dma_start3A_62 = tpu.memref_squeeze %dma_start3A_61 : memref<1x128xi32, #tpu.memory_space<vmem>> -> memref<128xi32, #tpu.memory_space<vmem>>
        %dma_start3A_63 = arith.constant 0 : i32
        %dma_start3A_64 = arith.constant 0 : i32
        %dma_start3A_65 = tpu.memref_slice %arg9[%dma_start3A_63, %dma_start3A_64] : memref<10000x32xf32, #tpu.memory_space<vmem_shared>> -> memref<10000x32xf32, #tpu.memory_space<vmem_shared>>
        tpu.enqueue_indirect_dma source(%arg12 : memref<128x32xf32, #tpu.memory_space<vmem>>) target(%dma_start3A_65 : memref<10000x32xf32, #tpu.memory_space<vmem_shared>>) offsets(%dma_start3A_62 : memref<128xi32, #tpu.memory_space<vmem>>) semaphore(%arg15 : memref<!tpu.dma_semaphore, #tpu.memory_space<semaphore_mem>>) {add = true}
        %dma_start3A_66 = arith.constant 3 : i32
        %dma_start3A_67 = arith.constant 384 : i32
        %dma_start3A_68 = arith.constant 0 : i32
        %dma_start3A_69 = tpu.memref_slice %arg11[%dma_start3A_67, %dma_start3A_68] : memref<1280x32xf32, #tpu.memory_space<vmem>> -> memref<128x32xf32, #tpu.memory_space<vmem>>
        %dma_start3A_70 = arith.constant 0 : i32
        %dma_start3A_71 = tpu.memref_slice %arg10[%dma_start3A_66, %dma_start3A_70] : memref<10x128xi32, #tpu.memory_space<vmem>> -> memref<1x128xi32, #tpu.memory_space<vmem>>
        %dma_start3A_72 = tpu.memref_squeeze %dma_start3A_71 : memref<1x128xi32, #tpu.memory_space<vmem>> -> memref<128xi32, #tpu.memory_space<vmem>>
        %dma_start3A_73 = arith.constant 0 : i32
        %dma_start3A_74 = arith.constant 0 : i32
        %dma_start3A_75 = tpu.memref_slice %arg8[%dma_start3A_73, %dma_start3A_74] : memref<10000x32xf32, #tpu.memory_space<vmem_shared>> -> memref<10000x32xf32, #tpu.memory_space<vmem_shared>>
        tpu.enqueue_indirect_dma source(%dma_start3A_69 : memref<128x32xf32, #tpu.memory_space<vmem>>) target(%dma_start3A_75 : memref<10000x32xf32, #tpu.memory_space<vmem_shared>>) offsets(%dma_start3A_72 : memref<128xi32, #tpu.memory_space<vmem>>) semaphore(%arg14 : memref<!tpu.dma_semaphore, #tpu.memory_space<semaphore_mem>>) {add = true}
        %dma_start3A_76 = arith.constant 3 : i32
        %dma_start3A_77 = arith.constant 0 : i32
        %dma_start3A_78 = tpu.memref_slice %arg10[%dma_start3A_76, %dma_start3A_77] : memref<10x128xi32, #tpu.memory_space<vmem>> -> memref<1x128xi32, #tpu.memory_space<vmem>>
        %dma_start3A_79 = tpu.memref_squeeze %dma_start3A_78 : memref<1x128xi32, #tpu.memory_space<vmem>> -> memref<128xi32, #tpu.memory_space<vmem>>
        %dma_start3A_80 = arith.constant 0 : i32
        %dma_start3A_81 = arith.constant 0 : i32
        %dma_start3A_82 = tpu.memref_slice %arg9[%dma_start3A_80, %dma_start3A_81] : memref<10000x32xf32, #tpu.memory_space<vmem_shared>> -> memref<10000x32xf32, #tpu.memory_space<vmem_shared>>
        tpu.enqueue_indirect_dma source(%arg12 : memref<128x32xf32, #tpu.memory_space<vmem>>) target(%dma_start3A_82 : memref<10000x32xf32, #tpu.memory_space<vmem_shared>>) offsets(%dma_start3A_79 : memref<128xi32, #tpu.memory_space<vmem>>) semaphore(%arg15 : memref<!tpu.dma_semaphore, #tpu.memory_space<semaphore_mem>>) {add = true}
        %dma_start3A_83 = arith.constant 4 : i32
        %dma_start3A_84 = arith.constant 512 : i32
        %dma_start3A_85 = arith.constant 0 : i32
        %dma_start3A_86 = tpu.memref_slice %arg11[%dma_start3A_84, %dma_start3A_85] : memref<1280x32xf32, #tpu.memory_space<vmem>> -> memref<128x32xf32, #tpu.memory_space<vmem>>
        %dma_start3A_87 = arith.constant 0 : i32
        %dma_start3A_88 = tpu.memref_slice %arg10[%dma_start3A_83, %dma_start3A_87] : memref<10x128xi32, #tpu.memory_space<vmem>> -> memref<1x128xi32, #tpu.memory_space<vmem>>
        %dma_start3A_89 = tpu.memref_squeeze %dma_start3A_88 : memref<1x128xi32, #tpu.memory_space<vmem>> -> memref<128xi32, #tpu.memory_space<vmem>>
        %dma_start3A_90 = arith.constant 0 : i32
        %dma_start3A_91 = arith.constant 0 : i32
        %dma_start3A_92 = tpu.memref_slice %arg8[%dma_start3A_90, %dma_start3A_91] : memref<10000x32xf32, #tpu.memory_space<vmem_shared>> -> memref<10000x32xf32, #tpu.memory_space<vmem_shared>>
        tpu.enqueue_indirect_dma source(%dma_start3A_86 : memref<128x32xf32, #tpu.memory_space<vmem>>) target(%dma_start3A_92 : memref<10000x32xf32, #tpu.memory_space<vmem_shared>>) offsets(%dma_start3A_89 : memref<128xi32, #tpu.memory_space<vmem>>) semaphore(%arg14 : memref<!tpu.dma_semaphore, #tpu.memory_space<semaphore_mem>>) {add = true}
        %dma_start3A_93 = arith.constant 4 : i32
        %dma_start3A_94 = arith.constant 0 : i32
        %dma_start3A_95 = tpu.memref_slice %arg10[%dma_start3A_93, %dma_start3A_94] : memref<10x128xi32, #tpu.memory_space<vmem>> -> memref<1x128xi32, #tpu.memory_space<vmem>>
        %dma_start3A_96 = tpu.memref_squeeze %dma_start3A_95 : memref<1x128xi32, #tpu.memory_space<vmem>> -> memref<128xi32, #tpu.memory_space<vmem>>
        %dma_start3A_97 = arith.constant 0 : i32
        %dma_start3A_98 = arith.constant 0 : i32
        %dma_start3A_99 = tpu.memref_slice %arg9[%dma_start3A_97, %dma_start3A_98] : memref<10000x32xf32, #tpu.memory_space<vmem_shared>> -> memref<10000x32xf32, #tpu.memory_space<vmem_shared>>
        tpu.enqueue_indirect_dma source(%arg12 : memref<128x32xf32, #tpu.memory_space<vmem>>) target(%dma_start3A_99 : memref<10000x32xf32, #tpu.memory_space<vmem_shared>>) offsets(%dma_start3A_96 : memref<128xi32, #tpu.memory_space<vmem>>) semaphore(%arg15 : memref<!tpu.dma_semaphore, #tpu.memory_space<semaphore_mem>>) {add = true}
        %dma_start3A_100 = arith.constant 5 : i32
        %dma_start3A_101 = arith.constant 640 : i32
        %dma_start3A_102 = arith.constant 0 : i32
        %dma_start3A_103 = tpu.memref_slice %arg11[%dma_start3A_101, %dma_start3A_102] : memref<1280x32xf32, #tpu.memory_space<vmem>> -> memref<128x32xf32, #tpu.memory_space<vmem>>
        %dma_start3A_104 = arith.constant 0 : i32
        %dma_start3A_105 = tpu.memref_slice %arg10[%dma_start3A_100, %dma_start3A_104] : memref<10x128xi32, #tpu.memory_space<vmem>> -> memref<1x128xi32, #tpu.memory_space<vmem>>
        %dma_start3A_106 = tpu.memref_squeeze %dma_start3A_105 : memref<1x128xi32, #tpu.memory_space<vmem>> -> memref<128xi32, #tpu.memory_space<vmem>>
        %dma_start3A_107 = arith.constant 0 : i32
        %dma_start3A_108 = arith.constant 0 : i32
        %dma_start3A_109 = tpu.memref_slice %arg8[%dma_start3A_107, %dma_start3A_108] : memref<10000x32xf32, #tpu.memory_space<vmem_shared>> -> memref<10000x32xf32, #tpu.memory_space<vmem_shared>>
        tpu.enqueue_indirect_dma source(%dma_start3A_103 : memref<128x32xf32, #tpu.memory_space<vmem>>) target(%dma_start3A_109 : memref<10000x32xf32, #tpu.memory_space<vmem_shared>>) offsets(%dma_start3A_106 : memref<128xi32, #tpu.memory_space<vmem>>) semaphore(%arg14 : memref<!tpu.dma_semaphore, #tpu.memory_space<semaphore_mem>>) {add = true}
        %dma_start3A_110 = arith.constant 5 : i32
        %dma_start3A_111 = arith.constant 0 : i32
        %dma_start3A_112 = tpu.memref_slice %arg10[%dma_start3A_110, %dma_start3A_111] : memref<10x128xi32, #tpu.memory_space<vmem>> -> memref<1x128xi32, #tpu.memory_space<vmem>>
        %dma_start3A_113 = tpu.memref_squeeze %dma_start3A_112 : memref<1x128xi32, #tpu.memory_space<vmem>> -> memref<128xi32, #tpu.memory_space<vmem>>
        %dma_start3A_114 = arith.constant 0 : i32
        %dma_start3A_115 = arith.constant 0 : i32
        %dma_start3A_116 = tpu.memref_slice %arg9[%dma_start3A_114, %dma_start3A_115] : memref<10000x32xf32, #tpu.memory_space<vmem_shared>> -> memref<10000x32xf32, #tpu.memory_space<vmem_shared>>
        tpu.enqueue_indirect_dma source(%arg12 : memref<128x32xf32, #tpu.memory_space<vmem>>) target(%dma_start3A_116 : memref<10000x32xf32, #tpu.memory_space<vmem_shared>>) offsets(%dma_start3A_113 : memref<128xi32, #tpu.memory_space<vmem>>) semaphore(%arg15 : memref<!tpu.dma_semaphore, #tpu.memory_space<semaphore_mem>>) {add = true}
        %dma_start3A_117 = arith.constant 6 : i32
        %dma_start3A_118 = arith.constant 768 : i32
        %dma_start3A_119 = arith.constant 0 : i32
        %dma_start3A_120 = tpu.memref_slice %arg11[%dma_start3A_118, %dma_start3A_119] : memref<1280x32xf32, #tpu.memory_space<vmem>> -> memref<128x32xf32, #tpu.memory_space<vmem>>
        %dma_start3A_121 = arith.constant 0 : i32
        %dma_start3A_122 = tpu.memref_slice %arg10[%dma_start3A_117, %dma_start3A_121] : memref<10x128xi32, #tpu.memory_space<vmem>> -> memref<1x128xi32, #tpu.memory_space<vmem>>
        %dma_start3A_123 = tpu.memref_squeeze %dma_start3A_122 : memref<1x128xi32, #tpu.memory_space<vmem>> -> memref<128xi32, #tpu.memory_space<vmem>>
        %dma_start3A_124 = arith.constant 0 : i32
        %dma_start3A_125 = arith.constant 0 : i32
        %dma_start3A_126 = tpu.memref_slice %arg8[%dma_start3A_124, %dma_start3A_125] : memref<10000x32xf32, #tpu.memory_space<vmem_shared>> -> memref<10000x32xf32, #tpu.memory_space<vmem_shared>>
        tpu.enqueue_indirect_dma source(%dma_start3A_120 : memref<128x32xf32, #tpu.memory_space<vmem>>) target(%dma_start3A_126 : memref<10000x32xf32, #tpu.memory_space<vmem_shared>>) offsets(%dma_start3A_123 : memref<128xi32, #tpu.memory_space<vmem>>) semaphore(%arg14 : memref<!tpu.dma_semaphore, #tpu.memory_space<semaphore_mem>>) {add = true}
        %dma_start3A_127 = arith.constant 6 : i32
        %dma_start3A_128 = arith.constant 0 : i32
        %dma_start3A_129 = tpu.memref_slice %arg10[%dma_start3A_127, %dma_start3A_128] : memref<10x128xi32, #tpu.memory_space<vmem>> -> memref<1x128xi32, #tpu.memory_space<vmem>>
        %dma_start3A_130 = tpu.memref_squeeze %dma_start3A_129 : memref<1x128xi32, #tpu.memory_space<vmem>> -> memref<128xi32, #tpu.memory_space<vmem>>
        %dma_start3A_131 = arith.constant 0 : i32
        %dma_start3A_132 = arith.constant 0 : i32
        %dma_start3A_133 = tpu.memref_slice %arg9[%dma_start3A_131, %dma_start3A_132] : memref<10000x32xf32, #tpu.memory_space<vmem_shared>> -> memref<10000x32xf32, #tpu.memory_space<vmem_shared>>
        tpu.enqueue_indirect_dma source(%arg12 : memref<128x32xf32, #tpu.memory_space<vmem>>) target(%dma_start3A_133 : memref<10000x32xf32, #tpu.memory_space<vmem_shared>>) offsets(%dma_start3A_130 : memref<128xi32, #tpu.memory_space<vmem>>) semaphore(%arg15 : memref<!tpu.dma_semaphore, #tpu.memory_space<semaphore_mem>>) {add = true}
        %dma_start3A_134 = arith.constant 7 : i32
        %dma_start3A_135 = arith.constant 896 : i32
        %dma_start3A_136 = arith.constant 0 : i32
        %dma_start3A_137 = tpu.memref_slice %arg11[%dma_start3A_135, %dma_start3A_136] : memref<1280x32xf32, #tpu.memory_space<vmem>> -> memref<128x32xf32, #tpu.memory_space<vmem>>
        %dma_start3A_138 = arith.constant 0 : i32
        %dma_start3A_139 = tpu.memref_slice %arg10[%dma_start3A_134, %dma_start3A_138] : memref<10x128xi32, #tpu.memory_space<vmem>> -> memref<1x128xi32, #tpu.memory_space<vmem>>
        %dma_start3A_140 = tpu.memref_squeeze %dma_start3A_139 : memref<1x128xi32, #tpu.memory_space<vmem>> -> memref<128xi32, #tpu.memory_space<vmem>>
        %dma_start3A_141 = arith.constant 0 : i32
        %dma_start3A_142 = arith.constant 0 : i32
        %dma_start3A_143 = tpu.memref_slice %arg8[%dma_start3A_141, %dma_start3A_142] : memref<10000x32xf32, #tpu.memory_space<vmem_shared>> -> memref<10000x32xf32, #tpu.memory_space<vmem_shared>>
        tpu.enqueue_indirect_dma source(%dma_start3A_137 : memref<128x32xf32, #tpu.memory_space<vmem>>) target(%dma_start3A_143 : memref<10000x32xf32, #tpu.memory_space<vmem_shared>>) offsets(%dma_start3A_140 : memref<128xi32, #tpu.memory_space<vmem>>) semaphore(%arg14 : memref<!tpu.dma_semaphore, #tpu.memory_space<semaphore_mem>>) {add = true}
        %dma_start3A_144 = arith.constant 7 : i32
        %dma_start3A_145 = arith.constant 0 : i32
        %dma_start3A_146 = tpu.memref_slice %arg10[%dma_start3A_144, %dma_start3A_145] : memref<10x128xi32, #tpu.memory_space<vmem>> -> memref<1x128xi32, #tpu.memory_space<vmem>>
        %dma_start3A_147 = tpu.memref_squeeze %dma_start3A_146 : memref<1x128xi32, #tpu.memory_space<vmem>> -> memref<128xi32, #tpu.memory_space<vmem>>
        %dma_start3A_148 = arith.constant 0 : i32
        %dma_start3A_149 = arith.constant 0 : i32
        %dma_start3A_150 = tpu.memref_slice %arg9[%dma_start3A_148, %dma_start3A_149] : memref<10000x32xf32, #tpu.memory_space<vmem_shared>> -> memref<10000x32xf32, #tpu.memory_space<vmem_shared>>
        tpu.enqueue_indirect_dma source(%arg12 : memref<128x32xf32, #tpu.memory_space<vmem>>) target(%dma_start3A_150 : memref<10000x32xf32, #tpu.memory_space<vmem_shared>>) offsets(%dma_start3A_147 : memref<128xi32, #tpu.memory_space<vmem>>) semaphore(%arg15 : memref<!tpu.dma_semaphore, #tpu.memory_space<semaphore_mem>>) {add = true}
        %dma_start3A_151 = arith.constant 8 : i32
        %dma_start3A_152 = arith.constant 1024 : i32
        %dma_start3A_153 = arith.constant 0 : i32
        %dma_start3A_154 = tpu.memref_slice %arg11[%dma_start3A_152, %dma_start3A_153] : memref<1280x32xf32, #tpu.memory_space<vmem>> -> memref<128x32xf32, #tpu.memory_space<vmem>>
        %dma_start3A_155 = arith.constant 0 : i32
        %dma_start3A_156 = tpu.memref_slice %arg10[%dma_start3A_151, %dma_start3A_155] : memref<10x128xi32, #tpu.memory_space<vmem>> -> memref<1x128xi32, #tpu.memory_space<vmem>>
        %dma_start3A_157 = tpu.memref_squeeze %dma_start3A_156 : memref<1x128xi32, #tpu.memory_space<vmem>> -> memref<128xi32, #tpu.memory_space<vmem>>
        %dma_start3A_158 = arith.constant 0 : i32
        %dma_start3A_159 = arith.constant 0 : i32
        %dma_start3A_160 = tpu.memref_slice %arg8[%dma_start3A_158, %dma_start3A_159] : memref<10000x32xf32, #tpu.memory_space<vmem_shared>> -> memref<10000x32xf32, #tpu.memory_space<vmem_shared>>
        tpu.enqueue_indirect_dma source(%dma_start3A_154 : memref<128x32xf32, #tpu.memory_space<vmem>>) target(%dma_start3A_160 : memref<10000x32xf32, #tpu.memory_space<vmem_shared>>) offsets(%dma_start3A_157 : memref<128xi32, #tpu.memory_space<vmem>>) semaphore(%arg14 : memref<!tpu.dma_semaphore, #tpu.memory_space<semaphore_mem>>) {add = true}
        %dma_start3A_161 = arith.constant 8 : i32
        %dma_start3A_162 = arith.constant 0 : i32
        %dma_start3A_163 = tpu.memref_slice %arg10[%dma_start3A_161, %dma_start3A_162] : memref<10x128xi32, #tpu.memory_space<vmem>> -> memref<1x128xi32, #tpu.memory_space<vmem>>
        %dma_start3A_164 = tpu.memref_squeeze %dma_start3A_163 : memref<1x128xi32, #tpu.memory_space<vmem>> -> memref<128xi32, #tpu.memory_space<vmem>>
        %dma_start3A_165 = arith.constant 0 : i32
        %dma_start3A_166 = arith.constant 0 : i32
        %dma_start3A_167 = tpu.memref_slice %arg9[%dma_start3A_165, %dma_start3A_166] : memref<10000x32xf32, #tpu.memory_space<vmem_shared>> -> memref<10000x32xf32, #tpu.memory_space<vmem_shared>>
        tpu.enqueue_indirect_dma source(%arg12 : memref<128x32xf32, #tpu.memory_space<vmem>>) target(%dma_start3A_167 : memref<10000x32xf32, #tpu.memory_space<vmem_shared>>) offsets(%dma_start3A_164 : memref<128xi32, #tpu.memory_space<vmem>>) semaphore(%arg15 : memref<!tpu.dma_semaphore, #tpu.memory_space<semaphore_mem>>) {add = true}
        %dma_start3A_168 = arith.constant 9 : i32
        %dma_start3A_169 = arith.constant 1152 : i32
        %dma_start3A_170 = arith.constant 0 : i32
        %dma_start3A_171 = tpu.memref_slice %arg11[%dma_start3A_169, %dma_start3A_170] : memref<1280x32xf32, #tpu.memory_space<vmem>> -> memref<128x32xf32, #tpu.memory_space<vmem>>
        %dma_start3A_172 = arith.constant 0 : i32
        %dma_start3A_173 = tpu.memref_slice %arg10[%dma_start3A_168, %dma_start3A_172] : memref<10x128xi32, #tpu.memory_space<vmem>> -> memref<1x128xi32, #tpu.memory_space<vmem>>
        %dma_start3A_174 = tpu.memref_squeeze %dma_start3A_173 : memref<1x128xi32, #tpu.memory_space<vmem>> -> memref<128xi32, #tpu.memory_space<vmem>>
        %dma_start3A_175 = arith.constant 0 : i32
        %dma_start3A_176 = arith.constant 0 : i32
        %dma_start3A_177 = tpu.memref_slice %arg8[%dma_start3A_175, %dma_start3A_176] : memref<10000x32xf32, #tpu.memory_space<vmem_shared>> -> memref<10000x32xf32, #tpu.memory_space<vmem_shared>>
        tpu.enqueue_indirect_dma source(%dma_start3A_171 : memref<128x32xf32, #tpu.memory_space<vmem>>) target(%dma_start3A_177 : memref<10000x32xf32, #tpu.memory_space<vmem_shared>>) offsets(%dma_start3A_174 : memref<128xi32, #tpu.memory_space<vmem>>) semaphore(%arg14 : memref<!tpu.dma_semaphore, #tpu.memory_space<semaphore_mem>>) {add = true}
        %dma_start3A_178 = arith.constant 9 : i32
        %dma_start3A_179 = arith.constant 0 : i32
        %dma_start3A_180 = tpu.memref_slice %arg10[%dma_start3A_178, %dma_start3A_179] : memref<10x128xi32, #tpu.memory_space<vmem>> -> memref<1x128xi32, #tpu.memory_space<vmem>>
        %dma_start3A_181 = tpu.memref_squeeze %dma_start3A_180 : memref<1x128xi32, #tpu.memory_space<vmem>> -> memref<128xi32, #tpu.memory_space<vmem>>
        %dma_start3A_182 = arith.constant 0 : i32
        %dma_start3A_183 = arith.constant 0 : i32
        %dma_start3A_184 = tpu.memref_slice %arg9[%dma_start3A_182, %dma_start3A_183] : memref<10000x32xf32, #tpu.memory_space<vmem_shared>> -> memref<10000x32xf32, #tpu.memory_space<vmem_shared>>
        tpu.enqueue_indirect_dma source(%arg12 : memref<128x32xf32, #tpu.memory_space<vmem>>) target(%dma_start3A_184 : memref<10000x32xf32, #tpu.memory_space<vmem_shared>>) offsets(%dma_start3A_181 : memref<128xi32, #tpu.memory_space<vmem>>) semaphore(%arg15 : memref<!tpu.dma_semaphore, #tpu.memory_space<semaphore_mem>>) {add = true}
        %dma_wait3A = arith.constant 0 : i32
        %dma_wait3A_185 = arith.constant 0 : i32
        %dma_wait3A_186 = arith.constant 0 : i32
        %dma_wait3A_187 = tpu.memref_slice %arg11[%dma_wait3A_185, %dma_wait3A_186] : memref<1280x32xf32, #tpu.memory_space<vmem>> -> memref<128x32xf32, #tpu.memory_space<vmem>>
        %dma_wait3A_188 = arith.constant 0 : i32
        %dma_wait3A_189 = tpu.memref_slice %arg10[%dma_wait3A, %dma_wait3A_188] : memref<10x128xi32, #tpu.memory_space<vmem>> -> memref<1x128xi32, #tpu.memory_space<vmem>>
        %dma_wait3A_190 = tpu.memref_squeeze %dma_wait3A_189 : memref<1x128xi32, #tpu.memory_space<vmem>> -> memref<128xi32, #tpu.memory_space<vmem>>
        %dma_wait3A_191 = arith.constant 0 : i32
        %dma_wait3A_192 = arith.constant 0 : i32
        %dma_wait3A_193 = tpu.memref_slice %arg8[%dma_wait3A_191, %dma_wait3A_192] : memref<10000x32xf32, #tpu.memory_space<vmem_shared>> -> memref<10000x32xf32, #tpu.memory_space<vmem_shared>>
        tpu.wait_indirect_dma semaphore(%arg14 : memref<!tpu.dma_semaphore, #tpu.memory_space<semaphore_mem>>) src(%dma_wait3A_187 : memref<128x32xf32, #tpu.memory_space<vmem>>) dst(%dma_wait3A_193 : memref<10000x32xf32, #tpu.memory_space<vmem_shared>>)
        %dma_wait3A_194 = arith.constant 0 : i32
        %dma_wait3A_195 = arith.constant 0 : i32
        %dma_wait3A_196 = tpu.memref_slice %arg10[%dma_wait3A_194, %dma_wait3A_195] : memref<10x128xi32, #tpu.memory_space<vmem>> -> memref<1x128xi32, #tpu.memory_space<vmem>>
        %dma_wait3A_197 = tpu.memref_squeeze %dma_wait3A_196 : memref<1x128xi32, #tpu.memory_space<vmem>> -> memref<128xi32, #tpu.memory_space<vmem>>
        %dma_wait3A_198 = arith.constant 0 : i32
        %dma_wait3A_199 = arith.constant 0 : i32
        %dma_wait3A_200 = tpu.memref_slice %arg9[%dma_wait3A_198, %dma_wait3A_199] : memref<10000x32xf32, #tpu.memory_space<vmem_shared>> -> memref<10000x32xf32, #tpu.memory_space<vmem_shared>>
        tpu.wait_indirect_dma semaphore(%arg15 : memref<!tpu.dma_semaphore, #tpu.memory_space<semaphore_mem>>) src(%arg12 : memref<128x32xf32, #tpu.memory_space<vmem>>) dst(%dma_wait3A_200 : memref<10000x32xf32, #tpu.memory_space<vmem_shared>>)
        %dma_wait3A_201 = arith.constant 1 : i32
        %dma_wait3A_202 = arith.constant 128 : i32
        %dma_wait3A_203 = arith.constant 0 : i32
        %dma_wait3A_204 = tpu.memref_slice %arg11[%dma_wait3A_202, %dma_wait3A_203] : memref<1280x32xf32, #tpu.memory_space<vmem>> -> memref<128x32xf32, #tpu.memory_space<vmem>>
        %dma_wait3A_205 = arith.constant 0 : i32
        %dma_wait3A_206 = tpu.memref_slice %arg10[%dma_wait3A_201, %dma_wait3A_205] : memref<10x128xi32, #tpu.memory_space<vmem>> -> memref<1x128xi32, #tpu.memory_space<vmem>>
        %dma_wait3A_207 = tpu.memref_squeeze %dma_wait3A_206 : memref<1x128xi32, #tpu.memory_space<vmem>> -> memref<128xi32, #tpu.memory_space<vmem>>
        %dma_wait3A_208 = arith.constant 0 : i32
        %dma_wait3A_209 = arith.constant 0 : i32
        %dma_wait3A_210 = tpu.memref_slice %arg8[%dma_wait3A_208, %dma_wait3A_209] : memref<10000x32xf32, #tpu.memory_space<vmem_shared>> -> memref<10000x32xf32, #tpu.memory_space<vmem_shared>>
        tpu.wait_indirect_dma semaphore(%arg14 : memref<!tpu.dma_semaphore, #tpu.memory_space<semaphore_mem>>) src(%dma_wait3A_204 : memref<128x32xf32, #tpu.memory_space<vmem>>) dst(%dma_wait3A_210 : memref<10000x32xf32, #tpu.memory_space<vmem_shared>>)
        %dma_wait3A_211 = arith.constant 1 : i32
        %dma_wait3A_212 = arith.constant 0 : i32
        %dma_wait3A_213 = tpu.memref_slice %arg10[%dma_wait3A_211, %dma_wait3A_212] : memref<10x128xi32, #tpu.memory_space<vmem>> -> memref<1x128xi32, #tpu.memory_space<vmem>>
        %dma_wait3A_214 = tpu.memref_squeeze %dma_wait3A_213 : memref<1x128xi32, #tpu.memory_space<vmem>> -> memref<128xi32, #tpu.memory_space<vmem>>
        %dma_wait3A_215 = arith.constant 0 : i32
        %dma_wait3A_216 = arith.constant 0 : i32
        %dma_wait3A_217 = tpu.memref_slice %arg9[%dma_wait3A_215, %dma_wait3A_216] : memref<10000x32xf32, #tpu.memory_space<vmem_shared>> -> memref<10000x32xf32, #tpu.memory_space<vmem_shared>>
        tpu.wait_indirect_dma semaphore(%arg15 : memref<!tpu.dma_semaphore, #tpu.memory_space<semaphore_mem>>) src(%arg12 : memref<128x32xf32, #tpu.memory_space<vmem>>) dst(%dma_wait3A_217 : memref<10000x32xf32, #tpu.memory_space<vmem_shared>>)
        %dma_wait3A_218 = arith.constant 2 : i32
        %dma_wait3A_219 = arith.constant 256 : i32
        %dma_wait3A_220 = arith.constant 0 : i32
        %dma_wait3A_221 = tpu.memref_slice %arg11[%dma_wait3A_219, %dma_wait3A_220] : memref<1280x32xf32, #tpu.memory_space<vmem>> -> memref<128x32xf32, #tpu.memory_space<vmem>>
        %dma_wait3A_222 = arith.constant 0 : i32
        %dma_wait3A_223 = tpu.memref_slice %arg10[%dma_wait3A_218, %dma_wait3A_222] : memref<10x128xi32, #tpu.memory_space<vmem>> -> memref<1x128xi32, #tpu.memory_space<vmem>>
        %dma_wait3A_224 = tpu.memref_squeeze %dma_wait3A_223 : memref<1x128xi32, #tpu.memory_space<vmem>> -> memref<128xi32, #tpu.memory_space<vmem>>
        %dma_wait3A_225 = arith.constant 0 : i32
        %dma_wait3A_226 = arith.constant 0 : i32
        %dma_wait3A_227 = tpu.memref_slice %arg8[%dma_wait3A_225, %dma_wait3A_226] : memref<10000x32xf32, #tpu.memory_space<vmem_shared>> -> memref<10000x32xf32, #tpu.memory_space<vmem_shared>>
        tpu.wait_indirect_dma semaphore(%arg14 : memref<!tpu.dma_semaphore, #tpu.memory_space<semaphore_mem>>) src(%dma_wait3A_221 : memref<128x32xf32, #tpu.memory_space<vmem>>) dst(%dma_wait3A_227 : memref<10000x32xf32, #tpu.memory_space<vmem_shared>>)
        %dma_wait3A_228 = arith.constant 2 : i32
        %dma_wait3A_229 = arith.constant 0 : i32
        %dma_wait3A_230 = tpu.memref_slice %arg10[%dma_wait3A_228, %dma_wait3A_229] : memref<10x128xi32, #tpu.memory_space<vmem>> -> memref<1x128xi32, #tpu.memory_space<vmem>>
        %dma_wait3A_231 = tpu.memref_squeeze %dma_wait3A_230 : memref<1x128xi32, #tpu.memory_space<vmem>> -> memref<128xi32, #tpu.memory_space<vmem>>
        %dma_wait3A_232 = arith.constant 0 : i32
        %dma_wait3A_233 = arith.constant 0 : i32
        %dma_wait3A_234 = tpu.memref_slice %arg9[%dma_wait3A_232, %dma_wait3A_233] : memref<10000x32xf32, #tpu.memory_space<vmem_shared>> -> memref<10000x32xf32, #tpu.memory_space<vmem_shared>>
        tpu.wait_indirect_dma semaphore(%arg15 : memref<!tpu.dma_semaphore, #tpu.memory_space<semaphore_mem>>) src(%arg12 : memref<128x32xf32, #tpu.memory_space<vmem>>) dst(%dma_wait3A_234 : memref<10000x32xf32, #tpu.memory_space<vmem_shared>>)
        %dma_wait3A_235 = arith.constant 3 : i32
        %dma_wait3A_236 = arith.constant 384 : i32
        %dma_wait3A_237 = arith.constant 0 : i32
        %dma_wait3A_238 = tpu.memref_slice %arg11[%dma_wait3A_236, %dma_wait3A_237] : memref<1280x32xf32, #tpu.memory_space<vmem>> -> memref<128x32xf32, #tpu.memory_space<vmem>>
        %dma_wait3A_239 = arith.constant 0 : i32
        %dma_wait3A_240 = tpu.memref_slice %arg10[%dma_wait3A_235, %dma_wait3A_239] : memref<10x128xi32, #tpu.memory_space<vmem>> -> memref<1x128xi32, #tpu.memory_space<vmem>>
        %dma_wait3A_241 = tpu.memref_squeeze %dma_wait3A_240 : memref<1x128xi32, #tpu.memory_space<vmem>> -> memref<128xi32, #tpu.memory_space<vmem>>
        %dma_wait3A_242 = arith.constant 0 : i32
        %dma_wait3A_243 = arith.constant 0 : i32
        %dma_wait3A_244 = tpu.memref_slice %arg8[%dma_wait3A_242, %dma_wait3A_243] : memref<10000x32xf32, #tpu.memory_space<vmem_shared>> -> memref<10000x32xf32, #tpu.memory_space<vmem_shared>>
        tpu.wait_indirect_dma semaphore(%arg14 : memref<!tpu.dma_semaphore, #tpu.memory_space<semaphore_mem>>) src(%dma_wait3A_238 : memref<128x32xf32, #tpu.memory_space<vmem>>) dst(%dma_wait3A_244 : memref<10000x32xf32, #tpu.memory_space<vmem_shared>>)
        %dma_wait3A_245 = arith.constant 3 : i32
        %dma_wait3A_246 = arith.constant 0 : i32
        %dma_wait3A_247 = tpu.memref_slice %arg10[%dma_wait3A_245, %dma_wait3A_246] : memref<10x128xi32, #tpu.memory_space<vmem>> -> memref<1x128xi32, #tpu.memory_space<vmem>>
        %dma_wait3A_248 = tpu.memref_squeeze %dma_wait3A_247 : memref<1x128xi32, #tpu.memory_space<vmem>> -> memref<128xi32, #tpu.memory_space<vmem>>
        %dma_wait3A_249 = arith.constant 0 : i32
        %dma_wait3A_250 = arith.constant 0 : i32
        %dma_wait3A_251 = tpu.memref_slice %arg9[%dma_wait3A_249, %dma_wait3A_250] : memref<10000x32xf32, #tpu.memory_space<vmem_shared>> -> memref<10000x32xf32, #tpu.memory_space<vmem_shared>>
        tpu.wait_indirect_dma semaphore(%arg15 : memref<!tpu.dma_semaphore, #tpu.memory_space<semaphore_mem>>) src(%arg12 : memref<128x32xf32, #tpu.memory_space<vmem>>) dst(%dma_wait3A_251 : memref<10000x32xf32, #tpu.memory_space<vmem_shared>>)
        %dma_wait3A_252 = arith.constant 4 : i32
        %dma_wait3A_253 = arith.constant 512 : i32
        %dma_wait3A_254 = arith.constant 0 : i32
        %dma_wait3A_255 = tpu.memref_slice %arg11[%dma_wait3A_253, %dma_wait3A_254] : memref<1280x32xf32, #tpu.memory_space<vmem>> -> memref<128x32xf32, #tpu.memory_space<vmem>>
        %dma_wait3A_256 = arith.constant 0 : i32
        %dma_wait3A_257 = tpu.memref_slice %arg10[%dma_wait3A_252, %dma_wait3A_256] : memref<10x128xi32, #tpu.memory_space<vmem>> -> memref<1x128xi32, #tpu.memory_space<vmem>>
        %dma_wait3A_258 = tpu.memref_squeeze %dma_wait3A_257 : memref<1x128xi32, #tpu.memory_space<vmem>> -> memref<128xi32, #tpu.memory_space<vmem>>
        %dma_wait3A_259 = arith.constant 0 : i32
        %dma_wait3A_260 = arith.constant 0 : i32
        %dma_wait3A_261 = tpu.memref_slice %arg8[%dma_wait3A_259, %dma_wait3A_260] : memref<10000x32xf32, #tpu.memory_space<vmem_shared>> -> memref<10000x32xf32, #tpu.memory_space<vmem_shared>>
        tpu.wait_indirect_dma semaphore(%arg14 : memref<!tpu.dma_semaphore, #tpu.memory_space<semaphore_mem>>) src(%dma_wait3A_255 : memref<128x32xf32, #tpu.memory_space<vmem>>) dst(%dma_wait3A_261 : memref<10000x32xf32, #tpu.memory_space<vmem_shared>>)
        %dma_wait3A_262 = arith.constant 4 : i32
        %dma_wait3A_263 = arith.constant 0 : i32
        %dma_wait3A_264 = tpu.memref_slice %arg10[%dma_wait3A_262, %dma_wait3A_263] : memref<10x128xi32, #tpu.memory_space<vmem>> -> memref<1x128xi32, #tpu.memory_space<vmem>>
        %dma_wait3A_265 = tpu.memref_squeeze %dma_wait3A_264 : memref<1x128xi32, #tpu.memory_space<vmem>> -> memref<128xi32, #tpu.memory_space<vmem>>
        %dma_wait3A_266 = arith.constant 0 : i32
        %dma_wait3A_267 = arith.constant 0 : i32
        %dma_wait3A_268 = tpu.memref_slice %arg9[%dma_wait3A_266, %dma_wait3A_267] : memref<10000x32xf32, #tpu.memory_space<vmem_shared>> -> memref<10000x32xf32, #tpu.memory_space<vmem_shared>>
        tpu.wait_indirect_dma semaphore(%arg15 : memref<!tpu.dma_semaphore, #tpu.memory_space<semaphore_mem>>) src(%arg12 : memref<128x32xf32, #tpu.memory_space<vmem>>) dst(%dma_wait3A_268 : memref<10000x32xf32, #tpu.memory_space<vmem_shared>>)
        %dma_wait3A_269 = arith.constant 5 : i32
        %dma_wait3A_270 = arith.constant 640 : i32
        %dma_wait3A_271 = arith.constant 0 : i32
        %dma_wait3A_272 = tpu.memref_slice %arg11[%dma_wait3A_270, %dma_wait3A_271] : memref<1280x32xf32, #tpu.memory_space<vmem>> -> memref<128x32xf32, #tpu.memory_space<vmem>>
        %dma_wait3A_273 = arith.constant 0 : i32
        %dma_wait3A_274 = tpu.memref_slice %arg10[%dma_wait3A_269, %dma_wait3A_273] : memref<10x128xi32, #tpu.memory_space<vmem>> -> memref<1x128xi32, #tpu.memory_space<vmem>>
        %dma_wait3A_275 = tpu.memref_squeeze %dma_wait3A_274 : memref<1x128xi32, #tpu.memory_space<vmem>> -> memref<128xi32, #tpu.memory_space<vmem>>
        %dma_wait3A_276 = arith.constant 0 : i32
        %dma_wait3A_277 = arith.constant 0 : i32
        %dma_wait3A_278 = tpu.memref_slice %arg8[%dma_wait3A_276, %dma_wait3A_277] : memref<10000x32xf32, #tpu.memory_space<vmem_shared>> -> memref<10000x32xf32, #tpu.memory_space<vmem_shared>>
        tpu.wait_indirect_dma semaphore(%arg14 : memref<!tpu.dma_semaphore, #tpu.memory_space<semaphore_mem>>) src(%dma_wait3A_272 : memref<128x32xf32, #tpu.memory_space<vmem>>) dst(%dma_wait3A_278 : memref<10000x32xf32, #tpu.memory_space<vmem_shared>>)
        %dma_wait3A_279 = arith.constant 5 : i32
        %dma_wait3A_280 = arith.constant 0 : i32
        %dma_wait3A_281 = tpu.memref_slice %arg10[%dma_wait3A_279, %dma_wait3A_280] : memref<10x128xi32, #tpu.memory_space<vmem>> -> memref<1x128xi32, #tpu.memory_space<vmem>>
        %dma_wait3A_282 = tpu.memref_squeeze %dma_wait3A_281 : memref<1x128xi32, #tpu.memory_space<vmem>> -> memref<128xi32, #tpu.memory_space<vmem>>
        %dma_wait3A_283 = arith.constant 0 : i32
        %dma_wait3A_284 = arith.constant 0 : i32
        %dma_wait3A_285 = tpu.memref_slice %arg9[%dma_wait3A_283, %dma_wait3A_284] : memref<10000x32xf32, #tpu.memory_space<vmem_shared>> -> memref<10000x32xf32, #tpu.memory_space<vmem_shared>>
        tpu.wait_indirect_dma semaphore(%arg15 : memref<!tpu.dma_semaphore, #tpu.memory_space<semaphore_mem>>) src(%arg12 : memref<128x32xf32, #tpu.memory_space<vmem>>) dst(%dma_wait3A_285 : memref<10000x32xf32, #tpu.memory_space<vmem_shared>>)
        %dma_wait3A_286 = arith.constant 6 : i32
        %dma_wait3A_287 = arith.constant 768 : i32
        %dma_wait3A_288 = arith.constant 0 : i32
        %dma_wait3A_289 = tpu.memref_slice %arg11[%dma_wait3A_287, %dma_wait3A_288] : memref<1280x32xf32, #tpu.memory_space<vmem>> -> memref<128x32xf32, #tpu.memory_space<vmem>>
        %dma_wait3A_290 = arith.constant 0 : i32
        %dma_wait3A_291 = tpu.memref_slice %arg10[%dma_wait3A_286, %dma_wait3A_290] : memref<10x128xi32, #tpu.memory_space<vmem>> -> memref<1x128xi32, #tpu.memory_space<vmem>>
        %dma_wait3A_292 = tpu.memref_squeeze %dma_wait3A_291 : memref<1x128xi32, #tpu.memory_space<vmem>> -> memref<128xi32, #tpu.memory_space<vmem>>
        %dma_wait3A_293 = arith.constant 0 : i32
        %dma_wait3A_294 = arith.constant 0 : i32
        %dma_wait3A_295 = tpu.memref_slice %arg8[%dma_wait3A_293, %dma_wait3A_294] : memref<10000x32xf32, #tpu.memory_space<vmem_shared>> -> memref<10000x32xf32, #tpu.memory_space<vmem_shared>>
        tpu.wait_indirect_dma semaphore(%arg14 : memref<!tpu.dma_semaphore, #tpu.memory_space<semaphore_mem>>) src(%dma_wait3A_289 : memref<128x32xf32, #tpu.memory_space<vmem>>) dst(%dma_wait3A_295 : memref<10000x32xf32, #tpu.memory_space<vmem_shared>>)
        %dma_wait3A_296 = arith.constant 6 : i32
        %dma_wait3A_297 = arith.constant 0 : i32
        %dma_wait3A_298 = tpu.memref_slice %arg10[%dma_wait3A_296, %dma_wait3A_297] : memref<10x128xi32, #tpu.memory_space<vmem>> -> memref<1x128xi32, #tpu.memory_space<vmem>>
        %dma_wait3A_299 = tpu.memref_squeeze %dma_wait3A_298 : memref<1x128xi32, #tpu.memory_space<vmem>> -> memref<128xi32, #tpu.memory_space<vmem>>
        %dma_wait3A_300 = arith.constant 0 : i32
        %dma_wait3A_301 = arith.constant 0 : i32
        %dma_wait3A_302 = tpu.memref_slice %arg9[%dma_wait3A_300, %dma_wait3A_301] : memref<10000x32xf32, #tpu.memory_space<vmem_shared>> -> memref<10000x32xf32, #tpu.memory_space<vmem_shared>>
        tpu.wait_indirect_dma semaphore(%arg15 : memref<!tpu.dma_semaphore, #tpu.memory_space<semaphore_mem>>) src(%arg12 : memref<128x32xf32, #tpu.memory_space<vmem>>) dst(%dma_wait3A_302 : memref<10000x32xf32, #tpu.memory_space<vmem_shared>>)
        %dma_wait3A_303 = arith.constant 7 : i32
        %dma_wait3A_304 = arith.constant 896 : i32
        %dma_wait3A_305 = arith.constant 0 : i32
        %dma_wait3A_306 = tpu.memref_slice %arg11[%dma_wait3A_304, %dma_wait3A_305] : memref<1280x32xf32, #tpu.memory_space<vmem>> -> memref<128x32xf32, #tpu.memory_space<vmem>>
        %dma_wait3A_307 = arith.constant 0 : i32
        %dma_wait3A_308 = tpu.memref_slice %arg10[%dma_wait3A_303, %dma_wait3A_307] : memref<10x128xi32, #tpu.memory_space<vmem>> -> memref<1x128xi32, #tpu.memory_space<vmem>>
        %dma_wait3A_309 = tpu.memref_squeeze %dma_wait3A_308 : memref<1x128xi32, #tpu.memory_space<vmem>> -> memref<128xi32, #tpu.memory_space<vmem>>
        %dma_wait3A_310 = arith.constant 0 : i32
        %dma_wait3A_311 = arith.constant 0 : i32
        %dma_wait3A_312 = tpu.memref_slice %arg8[%dma_wait3A_310, %dma_wait3A_311] : memref<10000x32xf32, #tpu.memory_space<vmem_shared>> -> memref<10000x32xf32, #tpu.memory_space<vmem_shared>>
        tpu.wait_indirect_dma semaphore(%arg14 : memref<!tpu.dma_semaphore, #tpu.memory_space<semaphore_mem>>) src(%dma_wait3A_306 : memref<128x32xf32, #tpu.memory_space<vmem>>) dst(%dma_wait3A_312 : memref<10000x32xf32, #tpu.memory_space<vmem_shared>>)
        %dma_wait3A_313 = arith.constant 7 : i32
        %dma_wait3A_314 = arith.constant 0 : i32
        %dma_wait3A_315 = tpu.memref_slice %arg10[%dma_wait3A_313, %dma_wait3A_314] : memref<10x128xi32, #tpu.memory_space<vmem>> -> memref<1x128xi32, #tpu.memory_space<vmem>>
        %dma_wait3A_316 = tpu.memref_squeeze %dma_wait3A_315 : memref<1x128xi32, #tpu.memory_space<vmem>> -> memref<128xi32, #tpu.memory_space<vmem>>
        %dma_wait3A_317 = arith.constant 0 : i32
        %dma_wait3A_318 = arith.constant 0 : i32
        %dma_wait3A_319 = tpu.memref_slice %arg9[%dma_wait3A_317, %dma_wait3A_318] : memref<10000x32xf32, #tpu.memory_space<vmem_shared>> -> memref<10000x32xf32, #tpu.memory_space<vmem_shared>>
        tpu.wait_indirect_dma semaphore(%arg15 : memref<!tpu.dma_semaphore, #tpu.memory_space<semaphore_mem>>) src(%arg12 : memref<128x32xf32, #tpu.memory_space<vmem>>) dst(%dma_wait3A_319 : memref<10000x32xf32, #tpu.memory_space<vmem_shared>>)
        %dma_wait3A_320 = arith.constant 8 : i32
        %dma_wait3A_321 = arith.constant 1024 : i32
        %dma_wait3A_322 = arith.constant 0 : i32
        %dma_wait3A_323 = tpu.memref_slice %arg11[%dma_wait3A_321, %dma_wait3A_322] : memref<1280x32xf32, #tpu.memory_space<vmem>> -> memref<128x32xf32, #tpu.memory_space<vmem>>
        %dma_wait3A_324 = arith.constant 0 : i32
        %dma_wait3A_325 = tpu.memref_slice %arg10[%dma_wait3A_320, %dma_wait3A_324] : memref<10x128xi32, #tpu.memory_space<vmem>> -> memref<1x128xi32, #tpu.memory_space<vmem>>
        %dma_wait3A_326 = tpu.memref_squeeze %dma_wait3A_325 : memref<1x128xi32, #tpu.memory_space<vmem>> -> memref<128xi32, #tpu.memory_space<vmem>>
        %dma_wait3A_327 = arith.constant 0 : i32
        %dma_wait3A_328 = arith.constant 0 : i32
        %dma_wait3A_329 = tpu.memref_slice %arg8[%dma_wait3A_327, %dma_wait3A_328] : memref<10000x32xf32, #tpu.memory_space<vmem_shared>> -> memref<10000x32xf32, #tpu.memory_space<vmem_shared>>
        tpu.wait_indirect_dma semaphore(%arg14 : memref<!tpu.dma_semaphore, #tpu.memory_space<semaphore_mem>>) src(%dma_wait3A_323 : memref<128x32xf32, #tpu.memory_space<vmem>>) dst(%dma_wait3A_329 : memref<10000x32xf32, #tpu.memory_space<vmem_shared>>)
        %dma_wait3A_330 = arith.constant 8 : i32
        %dma_wait3A_331 = arith.constant 0 : i32
        %dma_wait3A_332 = tpu.memref_slice %arg10[%dma_wait3A_330, %dma_wait3A_331] : memref<10x128xi32, #tpu.memory_space<vmem>> -> memref<1x128xi32, #tpu.memory_space<vmem>>
        %dma_wait3A_333 = tpu.memref_squeeze %dma_wait3A_332 : memref<1x128xi32, #tpu.memory_space<vmem>> -> memref<128xi32, #tpu.memory_space<vmem>>
        %dma_wait3A_334 = arith.constant 0 : i32
        %dma_wait3A_335 = arith.constant 0 : i32
        %dma_wait3A_336 = tpu.memref_slice %arg9[%dma_wait3A_334, %dma_wait3A_335] : memref<10000x32xf32, #tpu.memory_space<vmem_shared>> -> memref<10000x32xf32, #tpu.memory_space<vmem_shared>>
        tpu.wait_indirect_dma semaphore(%arg15 : memref<!tpu.dma_semaphore, #tpu.memory_space<semaphore_mem>>) src(%arg12 : memref<128x32xf32, #tpu.memory_space<vmem>>) dst(%dma_wait3A_336 : memref<10000x32xf32, #tpu.memory_space<vmem_shared>>)
        %dma_wait3A_337 = arith.constant 9 : i32
        %dma_wait3A_338 = arith.constant 1152 : i32
        %dma_wait3A_339 = arith.constant 0 : i32
        %dma_wait3A_340 = tpu.memref_slice %arg11[%dma_wait3A_338, %dma_wait3A_339] : memref<1280x32xf32, #tpu.memory_space<vmem>> -> memref<128x32xf32, #tpu.memory_space<vmem>>
        %dma_wait3A_341 = arith.constant 0 : i32
        %dma_wait3A_342 = tpu.memref_slice %arg10[%dma_wait3A_337, %dma_wait3A_341] : memref<10x128xi32, #tpu.memory_space<vmem>> -> memref<1x128xi32, #tpu.memory_space<vmem>>
        %dma_wait3A_343 = tpu.memref_squeeze %dma_wait3A_342 : memref<1x128xi32, #tpu.memory_space<vmem>> -> memref<128xi32, #tpu.memory_space<vmem>>
        %dma_wait3A_344 = arith.constant 0 : i32
        %dma_wait3A_345 = arith.constant 0 : i32
        %dma_wait3A_346 = tpu.memref_slice %arg8[%dma_wait3A_344, %dma_wait3A_345] : memref<10000x32xf32, #tpu.memory_space<vmem_shared>> -> memref<10000x32xf32, #tpu.memory_space<vmem_shared>>
        tpu.wait_indirect_dma semaphore(%arg14 : memref<!tpu.dma_semaphore, #tpu.memory_space<semaphore_mem>>) src(%dma_wait3A_340 : memref<128x32xf32, #tpu.memory_space<vmem>>) dst(%dma_wait3A_346 : memref<10000x32xf32, #tpu.memory_space<vmem_shared>>)
        %dma_wait3A_347 = arith.constant 9 : i32
        %dma_wait3A_348 = arith.constant 0 : i32
        %dma_wait3A_349 = tpu.memref_slice %arg10[%dma_wait3A_347, %dma_wait3A_348] : memref<10x128xi32, #tpu.memory_space<vmem>> -> memref<1x128xi32, #tpu.memory_space<vmem>>
        %dma_wait3A_350 = tpu.memref_squeeze %dma_wait3A_349 : memref<1x128xi32, #tpu.memory_space<vmem>> -> memref<128xi32, #tpu.memory_space<vmem>>
        %dma_wait3A_351 = arith.constant 0 : i32
        %dma_wait3A_352 = arith.constant 0 : i32
        %dma_wait3A_353 = tpu.memref_slice %arg9[%dma_wait3A_351, %dma_wait3A_352] : memref<10000x32xf32, #tpu.memory_space<vmem_shared>> -> memref<10000x32xf32, #tpu.memory_space<vmem_shared>>
        tpu.wait_indirect_dma semaphore(%arg15 : memref<!tpu.dma_semaphore, #tpu.memory_space<semaphore_mem>>) src(%arg12 : memref<128x32xf32, #tpu.memory_space<vmem>>) dst(%dma_wait3A_353 : memref<10000x32xf32, #tpu.memory_space<vmem_shared>>)
      } else {
      }
    }
    %scan3A_6 = arith.constant 4 : i32
    %barrier3A_7 = arith.constant 0 : index
    tpu.barrier barrier_id(%barrier3A_7)
    "tpu.region"() ({
      %run_scoped3A = tpu.sem_alloc : memref<!tpu.dma_semaphore, #tpu.memory_space<semaphore_mem>>
      %dma_start3A = arith.constant 0 : i32
      %dma_start3A_8 = tpu.memref_slice %arg8[%mul3A_2, %dma_start3A] : memref<10000x32xf32, #tpu.memory_space<vmem_shared>> -> memref<625x32xf32, #tpu.memory_space<vmem_shared>>
      %dma_start3A_9 = arith.constant 0 : i32
      %dma_start3A_10 = tpu.memref_slice %arg8[%mul3A_2, %dma_start3A_9] : memref<10000x32xf32, #tpu.memory_space<vmem_shared>> -> memref<625x32xf32, #tpu.memory_space<vmem_shared>>
      tpu.enqueue_dma source(%dma_start3A_10 : memref<625x32xf32, #tpu.memory_space<vmem_shared>>) target(%arg13 : memref<625x32xf32, #tpu.memory_space<vmem>>) target_semaphore(%run_scoped3A : memref<!tpu.dma_semaphore, #tpu.memory_space<semaphore_mem>>)
      %dma_wait3A = arith.constant 0 : i32
      %dma_wait3A_11 = tpu.memref_slice %arg8[%mul3A_2, %dma_wait3A] : memref<10000x32xf32, #tpu.memory_space<vmem_shared>> -> memref<625x32xf32, #tpu.memory_space<vmem_shared>>
      %dma_wait3A_12 = arith.constant 0 : i32
      %dma_wait3A_13 = tpu.memref_slice %arg8[%mul3A_2, %dma_wait3A_12] : memref<10000x32xf32, #tpu.memory_space<vmem_shared>> -> memref<625x32xf32, #tpu.memory_space<vmem_shared>>
      tpu.wait_dma2 semaphore(%run_scoped3A : memref<!tpu.dma_semaphore, #tpu.memory_space<semaphore_mem>>) src(%dma_wait3A_13 : memref<625x32xf32, #tpu.memory_space<vmem_shared>>) dst(%arg13 : memref<625x32xf32, #tpu.memory_space<vmem>>)
      tpu.yield
    }) : () -> ()
    "tpu.region"() ({
      %run_scoped3A = tpu.sem_alloc : memref<!tpu.dma_semaphore, #tpu.memory_space<semaphore_mem>>
      %dma_start3A = arith.constant 0 : i32
      %dma_start3A_8 = tpu.memref_slice %arg6[%arg0, %mul3A_2, %dma_start3A] : memref<2x10000x32xf32, #tpu.memory_space<hbm>> -> memref<1x625x32xf32, #tpu.memory_space<hbm>>
      %dma_start3A_9 = tpu.memref_squeeze %dma_start3A_8 : memref<1x625x32xf32, #tpu.memory_space<hbm>> -> memref<625x32xf32, #tpu.memory_space<hbm>>
      %dma_start3A_10 = arith.constant 0 : i32
      %dma_start3A_11 = tpu.memref_slice %arg6[%arg0, %mul3A_2, %dma_start3A_10] : memref<2x10000x32xf32, #tpu.memory_space<hbm>> -> memref<1x625x32xf32, #tpu.memory_space<hbm>>
      %dma_start3A_12 = tpu.memref_squeeze %dma_start3A_11 : memref<1x625x32xf32, #tpu.memory_space<hbm>> -> memref<625x32xf32, #tpu.memory_space<hbm>>
      tpu.enqueue_dma source(%arg13 : memref<625x32xf32, #tpu.memory_space<vmem>>) target(%dma_start3A_12 : memref<625x32xf32, #tpu.memory_space<hbm>>) target_semaphore(%run_scoped3A : memref<!tpu.dma_semaphore, #tpu.memory_space<semaphore_mem>>)
      %dma_wait3A = arith.constant 0 : i32
      %dma_wait3A_13 = tpu.memref_slice %arg6[%arg0, %mul3A_2, %dma_wait3A] : memref<2x10000x32xf32, #tpu.memory_space<hbm>> -> memref<1x625x32xf32, #tpu.memory_space<hbm>>
      %dma_wait3A_14 = tpu.memref_squeeze %dma_wait3A_13 : memref<1x625x32xf32, #tpu.memory_space<hbm>> -> memref<625x32xf32, #tpu.memory_space<hbm>>
      %dma_wait3A_15 = arith.constant 0 : i32
      %dma_wait3A_16 = tpu.memref_slice %arg6[%arg0, %mul3A_2, %dma_wait3A_15] : memref<2x10000x32xf32, #tpu.memory_space<hbm>> -> memref<1x625x32xf32, #tpu.memory_space<hbm>>
      %dma_wait3A_17 = tpu.memref_squeeze %dma_wait3A_16 : memref<1x625x32xf32, #tpu.memory_space<hbm>> -> memref<625x32xf32, #tpu.memory_space<hbm>>
      tpu.wait_dma2 semaphore(%run_scoped3A : memref<!tpu.dma_semaphore, #tpu.memory_space<semaphore_mem>>) src(%arg13 : memref<625x32xf32, #tpu.memory_space<vmem>>) dst(%dma_wait3A_17 : memref<625x32xf32, #tpu.memory_space<hbm>>)
      tpu.yield
    }) : () -> ()
    "tpu.region"() ({
      %run_scoped3A = tpu.sem_alloc : memref<!tpu.dma_semaphore, #tpu.memory_space<semaphore_mem>>
      %dma_start3A = arith.constant 0 : i32
      %dma_start3A_8 = tpu.memref_slice %arg9[%mul3A_2, %dma_start3A] : memref<10000x32xf32, #tpu.memory_space<vmem_shared>> -> memref<625x32xf32, #tpu.memory_space<vmem_shared>>
      %dma_start3A_9 = arith.constant 0 : i32
      %dma_start3A_10 = tpu.memref_slice %arg9[%mul3A_2, %dma_start3A_9] : memref<10000x32xf32, #tpu.memory_space<vmem_shared>> -> memref<625x32xf32, #tpu.memory_space<vmem_shared>>
      tpu.enqueue_dma source(%dma_start3A_10 : memref<625x32xf32, #tpu.memory_space<vmem_shared>>) target(%arg13 : memref<625x32xf32, #tpu.memory_space<vmem>>) target_semaphore(%run_scoped3A : memref<!tpu.dma_semaphore, #tpu.memory_space<semaphore_mem>>)
      %dma_wait3A = arith.constant 0 : i32
      %dma_wait3A_11 = tpu.memref_slice %arg9[%mul3A_2, %dma_wait3A] : memref<10000x32xf32, #tpu.memory_space<vmem_shared>> -> memref<625x32xf32, #tpu.memory_space<vmem_shared>>
      %dma_wait3A_12 = arith.constant 0 : i32
      %dma_wait3A_13 = tpu.memref_slice %arg9[%mul3A_2, %dma_wait3A_12] : memref<10000x32xf32, #tpu.memory_space<vmem_shared>> -> memref<625x32xf32, #tpu.memory_space<vmem_shared>>
      tpu.wait_dma2 semaphore(%run_scoped3A : memref<!tpu.dma_semaphore, #tpu.memory_space<semaphore_mem>>) src(%dma_wait3A_13 : memref<625x32xf32, #tpu.memory_space<vmem_shared>>) dst(%arg13 : memref<625x32xf32, #tpu.memory_space<vmem>>)
      tpu.yield
    }) : () -> ()
    "tpu.region"() ({
      %run_scoped3A = tpu.sem_alloc : memref<!tpu.dma_semaphore, #tpu.memory_space<semaphore_mem>>
      %dma_start3A = arith.constant 0 : i32
      %dma_start3A_8 = tpu.memref_slice %arg7[%arg0, %mul3A_2, %dma_start3A] : memref<2x10000x32xf32, #tpu.memory_space<hbm>> -> memref<1x625x32xf32, #tpu.memory_space<hbm>>
      %dma_start3A_9 = tpu.memref_squeeze %dma_start3A_8 : memref<1x625x32xf32, #tpu.memory_space<hbm>> -> memref<625x32xf32, #tpu.memory_space<hbm>>
      %dma_start3A_10 = arith.constant 0 : i32
      %dma_start3A_11 = tpu.memref_slice %arg7[%arg0, %mul3A_2, %dma_start3A_10] : memref<2x10000x32xf32, #tpu.memory_space<hbm>> -> memref<1x625x32xf32, #tpu.memory_space<hbm>>
      %dma_start3A_12 = tpu.memref_squeeze %dma_start3A_11 : memref<1x625x32xf32, #tpu.memory_space<hbm>> -> memref<625x32xf32, #tpu.memory_space<hbm>>
      tpu.enqueue_dma source(%arg13 : memref<625x32xf32, #tpu.memory_space<vmem>>) target(%dma_start3A_12 : memref<625x32xf32, #tpu.memory_space<hbm>>) target_semaphore(%run_scoped3A : memref<!tpu.dma_semaphore, #tpu.memory_space<semaphore_mem>>)
      %dma_wait3A = arith.constant 0 : i32
      %dma_wait3A_13 = tpu.memref_slice %arg7[%arg0, %mul3A_2, %dma_wait3A] : memref<2x10000x32xf32, #tpu.memory_space<hbm>> -> memref<1x625x32xf32, #tpu.memory_space<hbm>>
      %dma_wait3A_14 = tpu.memref_squeeze %dma_wait3A_13 : memref<1x625x32xf32, #tpu.memory_space<hbm>> -> memref<625x32xf32, #tpu.memory_space<hbm>>
      %dma_wait3A_15 = arith.constant 0 : i32
      %dma_wait3A_16 = tpu.memref_slice %arg7[%arg0, %mul3A_2, %dma_wait3A_15] : memref<2x10000x32xf32, #tpu.memory_space<hbm>> -> memref<1x625x32xf32, #tpu.memory_space<hbm>>
      %dma_wait3A_17 = tpu.memref_squeeze %dma_wait3A_16 : memref<1x625x32xf32, #tpu.memory_space<hbm>> -> memref<625x32xf32, #tpu.memory_space<hbm>>
      tpu.wait_dma2 semaphore(%run_scoped3A : memref<!tpu.dma_semaphore, #tpu.memory_space<semaphore_mem>>) src(%arg13 : memref<625x32xf32, #tpu.memory_space<vmem>>) dst(%dma_wait3A_17 : memref<625x32xf32, #tpu.memory_space<hbm>>)
      tpu.yield
    }) : () -> ()
    return
  }
}

module attributes {stable_mosaic.version = 14 : i64} {
  func.func @_matvec_body(%arg0: i32, %arg1: memref<2000x32xf32, #tpu.memory_space<vmem>>, %arg2: memref<2000x1024xf32, #tpu.memory_space<vmem>>, %arg3: memref<32x1024xbf16, #tpu.memory_space<vmem>>, %arg4: memref<2000x32xf32, #tpu.memory_space<vmem>>) attributes {dimension_semantics = [#tpu.dimension_semantics<arbitrary>], iteration_bounds = array<i64: 80>, scalar_prefetch = 0 : i64, scratch_operands = 0 : i64, tpu.core_type = #tpu.core_type<tc>, window_params = [{transform_indices = @transform_0, window_bounds = array<i64: 2000, 32>}, {transform_indices = @transform_1, window_bounds = array<i64: 2000, 1024>}, {pipeline_mode = #tpu.pipeline_mode<synchronous>, transform_indices = @transform_2, window_bounds = array<i64: 32, 1024>}, {transform_indices = @transform_3, window_bounds = array<i64: 2000, 32>}]} {
    %get3A = arith.constant 0 : index
    %get3A_0 = arith.constant 0 : index
    %get3A_1 = vector.load %arg1[%get3A, %get3A_0] : memref<2000x32xf32, #tpu.memory_space<vmem>>, vector<2000x32xf32>
    %convert_element_type3A = arith.truncf %get3A_1 : vector<2000x32xf32> to vector<2000x32xbf16>
    %get3A_2 = arith.constant 0 : index
    %get3A_3 = arith.constant 0 : index
    %get3A_4 = vector.load %arg3[%get3A_2, %get3A_3] : memref<32x1024xbf16, #tpu.memory_space<vmem>>, vector<32x1024xbf16>
    %dot_general3A = arith.constant dense<0.000000e+00> : vector<2000x1024xf32>
    %dot_general3A_5 = tpu.matmul %convert_element_type3A, %get3A_4, %dot_general3A {dimension_numbers = #tpu.dot_dimension_numbers<[1], [0], [0], [1], [0, 0, 1, 1], [], []>, transpose_lhs_hint = false} : vector<2000x32xbf16>, vector<32x1024xbf16>, vector<2000x1024xf32> -> vector<2000x1024xf32>
    %get3A_6 = arith.constant 0 : index
    %get3A_7 = arith.constant 0 : index
    %get3A_8 = vector.load %arg2[%get3A_6, %get3A_7] : memref<2000x1024xf32, #tpu.memory_space<vmem>>, vector<2000x1024xf32>
    %mul3A = arith.mulf %dot_general3A_5, %get3A_8 : vector<2000x1024xf32>
    %slice3A = vector.extract_strided_slice %mul3A {offsets = [0, 0], sizes = [2000, 128], strides = [1, 1]} : vector<2000x1024xf32> to vector<2000x128xf32>
    %slice3A_9 = vector.extract_strided_slice %mul3A {offsets = [0, 128], sizes = [2000, 128], strides = [1, 1]} : vector<2000x1024xf32> to vector<2000x128xf32>
    %add3A = arith.addf %slice3A, %slice3A_9 : vector<2000x128xf32>
    %slice3A_10 = vector.extract_strided_slice %mul3A {offsets = [0, 256], sizes = [2000, 128], strides = [1, 1]} : vector<2000x1024xf32> to vector<2000x128xf32>
    %add3A_11 = arith.addf %add3A, %slice3A_10 : vector<2000x128xf32>
    %slice3A_12 = vector.extract_strided_slice %mul3A {offsets = [0, 384], sizes = [2000, 128], strides = [1, 1]} : vector<2000x1024xf32> to vector<2000x128xf32>
    %add3A_13 = arith.addf %add3A_11, %slice3A_12 : vector<2000x128xf32>
    %slice3A_14 = vector.extract_strided_slice %mul3A {offsets = [0, 512], sizes = [2000, 128], strides = [1, 1]} : vector<2000x1024xf32> to vector<2000x128xf32>
    %add3A_15 = arith.addf %add3A_13, %slice3A_14 : vector<2000x128xf32>
    %slice3A_16 = vector.extract_strided_slice %mul3A {offsets = [0, 640], sizes = [2000, 128], strides = [1, 1]} : vector<2000x1024xf32> to vector<2000x128xf32>
    %add3A_17 = arith.addf %add3A_15, %slice3A_16 : vector<2000x128xf32>
    %slice3A_18 = vector.extract_strided_slice %mul3A {offsets = [0, 768], sizes = [2000, 128], strides = [1, 1]} : vector<2000x1024xf32> to vector<2000x128xf32>
    %add3A_19 = arith.addf %add3A_17, %slice3A_18 : vector<2000x128xf32>
    %slice3A_20 = vector.extract_strided_slice %mul3A {offsets = [0, 896], sizes = [2000, 128], strides = [1, 1]} : vector<2000x1024xf32> to vector<2000x128xf32>
    %add3A_21 = arith.addf %add3A_19, %slice3A_20 : vector<2000x128xf32>
    %slice3A_22 = vector.extract_strided_slice %add3A_21 {offsets = [0, 0], sizes = [2000, 32], strides = [1, 1]} : vector<2000x128xf32> to vector<2000x32xf32>
    %slice3A_23 = vector.extract_strided_slice %add3A_21 {offsets = [0, 32], sizes = [2000, 32], strides = [1, 1]} : vector<2000x128xf32> to vector<2000x32xf32>
    %add3A_24 = arith.addf %slice3A_22, %slice3A_23 : vector<2000x32xf32>
    %slice3A_25 = vector.extract_strided_slice %add3A_21 {offsets = [0, 64], sizes = [2000, 32], strides = [1, 1]} : vector<2000x128xf32> to vector<2000x32xf32>
    %add3A_26 = arith.addf %add3A_24, %slice3A_25 : vector<2000x32xf32>
    %slice3A_27 = vector.extract_strided_slice %add3A_21 {offsets = [0, 96], sizes = [2000, 32], strides = [1, 1]} : vector<2000x128xf32> to vector<2000x32xf32>
    %add3A_28 = arith.addf %add3A_26, %slice3A_27 : vector<2000x32xf32>
    %swap3A = arith.constant 0 : index
    %swap3A_29 = arith.constant 0 : index
    %swap3A_30 = vector.load %arg4[%swap3A, %swap3A_29] : memref<2000x32xf32, #tpu.memory_space<vmem>>, vector<2000x32xf32>
    tpu.vector_store %arg4[%swap3A, %swap3A_29], %add3A_28 {strides = array<i32>} : memref<2000x32xf32, #tpu.memory_space<vmem>>, vector<2000x32xf32>,
    return
  }
  func.func @transform_0(%arg0: i32) -> (i32, i32) {
    %c0_i32 = arith.constant 0 : i32
    %c0_i32_0 = arith.constant 0 : i32
    return %arg0, %c0_i32 : i32, i32
  }
  func.func @transform_1(%arg0: i32) -> (i32, i32) {
    %c0_i32 = arith.constant 0 : i32
    %c0_i32_0 = arith.constant 0 : i32
    return %arg0, %c0_i32 : i32, i32
  }
  func.func @transform_2(%arg0: i32) -> (i32, i32) {
    %c0_i32 = arith.constant 0 : i32
    %c0_i32_0 = arith.constant 0 : i32
    %c0_i32_1 = arith.constant 0 : i32
    return %c0_i32, %c0_i32_0 : i32, i32
  }
  func.func @transform_3(%arg0: i32) -> (i32, i32) {
    %c0_i32 = arith.constant 0 : i32
    %c0_i32_0 = arith.constant 0 : i32
    return %arg0, %c0_i32 : i32, i32
  }
}

module attributes {stable_mosaic.version = 14 : i64} {
  func.func @_finalize_body(%arg0: i32, %arg1: memref<2x2500x128xf32, #tpu.memory_space<vmem>>, %arg2: memref<2x2500x128xf32, #tpu.memory_space<vmem>>, %arg3: memref<1x128xf32, #tpu.memory_space<vmem>>, %arg4: memref<2500x128xf32, #tpu.memory_space<vmem>>) attributes {dimension_semantics = [#tpu.dimension_semantics<arbitrary>], iteration_bounds = array<i64: 1>, scalar_prefetch = 0 : i64, scratch_operands = 0 : i64, tpu.core_type = #tpu.core_type<tc>, window_params = [{pipeline_mode = #tpu.pipeline_mode<synchronous>, transform_indices = @transform_0, window_bounds = array<i64: 2, 2500, 128>}, {pipeline_mode = #tpu.pipeline_mode<synchronous>, transform_indices = @transform_1, window_bounds = array<i64: 2, 2500, 128>}, {pipeline_mode = #tpu.pipeline_mode<synchronous>, transform_indices = @transform_2, window_bounds = array<i64: 1, 128>}, {pipeline_mode = #tpu.pipeline_mode<synchronous>, transform_indices = @transform_3, window_bounds = array<i64: 2500, 128>}]} {
    %get3A = arith.constant 0 : index
    %get3A_0 = arith.constant 0 : index
    %get3A_1 = arith.constant 0 : index
    %get3A_2 = vector.load %arg1[%get3A, %get3A_0, %get3A_1] : memref<2x2500x128xf32, #tpu.memory_space<vmem>>, vector<1x2500x128xf32>
    %get3A_3 = vector.shape_cast %get3A_2 : vector<1x2500x128xf32> to vector<2500x128xf32>
    %get3A_4 = arith.constant 1 : index
    %get3A_5 = arith.constant 0 : index
    %get3A_6 = arith.constant 0 : index
    %get3A_7 = vector.load %arg1[%get3A_4, %get3A_5, %get3A_6] : memref<2x2500x128xf32, #tpu.memory_space<vmem>>, vector<1x2500x128xf32>
    %get3A_8 = vector.shape_cast %get3A_7 : vector<1x2500x128xf32> to vector<2500x128xf32>
    %add3A = arith.addf %get3A_3, %get3A_8 : vector<2500x128xf32>
    %get3A_9 = arith.constant 0 : index
    %get3A_10 = arith.constant 0 : index
    %get3A_11 = arith.constant 0 : index
    %get3A_12 = vector.load %arg2[%get3A_9, %get3A_10, %get3A_11] : memref<2x2500x128xf32, #tpu.memory_space<vmem>>, vector<1x2500x128xf32>
    %get3A_13 = vector.shape_cast %get3A_12 : vector<1x2500x128xf32> to vector<2500x128xf32>
    %get3A_14 = arith.constant 1 : index
    %get3A_15 = arith.constant 0 : index
    %get3A_16 = arith.constant 0 : index
    %get3A_17 = vector.load %arg2[%get3A_14, %get3A_15, %get3A_16] : memref<2x2500x128xf32, #tpu.memory_space<vmem>>, vector<1x2500x128xf32>
    %get3A_18 = vector.shape_cast %get3A_17 : vector<1x2500x128xf32> to vector<2500x128xf32>
    %add3A_19 = arith.addf %get3A_13, %get3A_18 : vector<2500x128xf32>
    %max3A = arith.constant 1.000000e+00 : f32
    %max3A_20 = vector.broadcast %max3A : f32 to vector<2500x128xf32>
    %max3A_21 = arith.maximumf %add3A_19, %max3A_20 : vector<2500x128xf32>
    %div3A = arith.divf %add3A, %max3A_21 : vector<2500x128xf32>
    %get3A_22 = arith.constant 0 : index
    %get3A_23 = arith.constant 0 : index
    %get3A_24 = vector.load %arg3[%get3A_22, %get3A_23] : memref<1x128xf32, #tpu.memory_space<vmem>>, vector<1x128xf32>
    %add3A_25 = vector.broadcast %get3A_24 : vector<1x128xf32> to vector<2500x128xf32>
    %add3A_26 = arith.addf %div3A, %add3A_25 : vector<2500x128xf32>
    %max3A_27 = arith.constant 0.000000e+00 : f32
    %max3A_28 = vector.broadcast %max3A_27 : f32 to vector<2500x128xf32>
    %max3A_29 = arith.maximumf %add3A_26, %max3A_28 : vector<2500x128xf32>
    %swap3A = arith.constant 0 : index
    %swap3A_30 = arith.constant 0 : index
    %swap3A_31 = vector.load %arg4[%swap3A, %swap3A_30] : memref<2500x128xf32, #tpu.memory_space<vmem>>, vector<2500x128xf32>
    tpu.vector_store %arg4[%swap3A, %swap3A_30], %max3A_29 {strides = array<i32>} : memref<2500x128xf32, #tpu.memory_space<vmem>>, vector<2500x128xf32>,
    return
  }
  func.func @transform_0(%arg0: i32) -> (i32, i32, i32) {
    %c0_i32 = arith.constant 0 : i32
    %c0_i32_0 = arith.constant 0 : i32
    %c0_i32_1 = arith.constant 0 : i32
    %c0_i32_2 = arith.constant 0 : i32
    return %c0_i32, %c0_i32_0, %c0_i32_1 : i32, i32, i32
  }
  func.func @transform_1(%arg0: i32) -> (i32, i32, i32) {
    %c0_i32 = arith.constant 0 : i32
    %c0_i32_0 = arith.constant 0 : i32
    %c0_i32_1 = arith.constant 0 : i32
    %c0_i32_2 = arith.constant 0 : i32
    return %c0_i32, %c0_i32_0, %c0_i32_1 : i32, i32, i32
  }
  func.func @transform_2(%arg0: i32) -> (i32, i32) {
    %c0_i32 = arith.constant 0 : i32
    %c0_i32_0 = arith.constant 0 : i32
    %c0_i32_1 = arith.constant 0 : i32
    return %c0_i32, %c0_i32_0 : i32, i32
  }
  func.func @transform_3(%arg0: i32) -> (i32, i32) {
    %c0_i32 = arith.constant 0 : i32
    %c0_i32_0 = arith.constant 0 : i32
    %c0_i32_1 = arith.constant 0 : i32
    return %c0_i32, %c0_i32_0 : i32, i32
  }
}

</mosaic_0001>

<sc_bundles>
// kernel: kernel.6.cloned.1.call-start
scs
__scs_entry_jumppad:
0x0: {  	(pc) =	sbr.rel $0x88, $3  }
0x1: {  	(tag) =	ssettag $0x0;
	lr =	simm.s32 $0x1  }
0x2: {  	[smem:$0x3F9D] =	sst lr;
	_ =	strace $0xD0000000  }
0x3: {  	_ = 	snop  }
0x4: {  	_ = 	snop  }
0x5: {  	_ = 	snop  }
0x6: {  	_ = 	snop  }
0x7: {  	_ = 	snop  }
__scs_overlays_trampoline_lowered:
0x8: {  	[smem:$0x3FAC] =	sst s0  }
0x9: {  	[smem:$0x3FAD] =	sst s1  }
0xa: {  	[smem:$0x3FAE] =	sst s2  }
0xb: {  	[smem:$0x3FAF] =	sst s3  }
0xc: {  	[smem:$0x3FB0] =	sst s4  }
0xd: {  	[smem:$0x3FB1] =	sst s5  }
0xe: {  	[smem:$0x3FB2] =	sst s6  }
0xf: {  	[smem:$0x3FB3] =	sst s7  }
0x10: {  	[smem:$0x3FB4] =	sst s8  }
0x11: {  	[smem:$0x3FB5] =	sst s9;
	s0 =	simm.s32 @!p0 $0x0  }
0x12: {  	s1 =	sld [smem:$0x3F9B];
	s0 =	simm.s32 @p0 $0x1  }
0x13: {  	[smem:$0x3FB6] =	sst s0;
	s0 =	simm.s32 @!p1 $0x0  }
0x14: {  	s2 =	sld [smem:$0x3F9A];
	s0 =	simm.s32 @p1 $0x1  }
0x15: {  	[smem:$0x3FB7] =	sst s0;
	s0 =	simm.s32 @!p2 $0x0  }
0x16: {  	s3 =	sld [smem:$0x3FDB];
	s0 =	simm.s32 @p2 $0x1  }
0x17: {  	s4 =	simm.s32 $0x1BF5;
	[smem:$0x3FB9] =	sst s0  }
0x18: {  	s0 =	sld [smem:$0x3F9C];
	_ =	swait.ge [sflag:s4], $0x0  }
0x19: {  	s7 =	sld [smem:$0x3F9D]  }
0x1a: {  	s8 =	sadd.s32 $0xFFFFE003, lr  }
0x1b: {  	s9 =	sadd.s32 $0xFFFFFEF7, lr;
	s5 =	simm.s32 $0xFFFFFFFF;
	p2 =	slt.u32 s8, $0xFFFFF086  }
0x1c: {  	p1 =	slt.u32 s9, $0xF7A;
	s5 =	simm.s32 @!p2 $0x0  }
0x1d: {  	s5 =	simm.s32 @p1 $0x1;
	p0 =	seq.s32 s7, s2  }
0x1e: {  	s7 =	smul.u32 @!p0 $0xF7A, s2;
	p2 =	seq.s32 @!p0 s5, $0x0  }
0x1f: {  	s9 =	smul.u32 $0xF7A, s1;
	s8 =	simm.s32 @!p0 $0x1BF5;
	p2 =	por !p2, p0  }
0x20: {  	[sflag:s8] =	ssyncset.s32 @!p0 $0xFFFFF086;
	s6 =	sadd.s32 @!p0 s3, s7;
	s7 =	simm.s32 @!p0 $0x108  }
0x21: {  	s3 =	sadd.s32 s3, s9;
	s6 =	sadd.s32 @!p0 $0x88, s6;
	s7 =	simm.s32 @p2 $0x1082  }
0x22: {  	[simem:s7], [sflag:s8] =	dma.local @!p0 [hbm:s6], $0xF7A  }
0x23: {  	s9 =	sor.u32 $0xD0000000, s2;
	s6 =	simm.s32 $0x108;
	_ =	swait.ge @!p0 [sflag:s8], $0x0  }
0x24: {  	s3 =	sadd.s32 $0x88, s3;
	s6 =	simm.s32 @!p1 $0x1082;
	[sflag:s4] =	ssyncset.s32 $0xFFFFF086  }
0x25: {  	[simem:s6], [sflag:s4] =	dma.local [hbm:s3], $0xF7A  }
0x26: {  	[smem:$0x3F9D] =	sst s1;
	(tag) =	ssettag s2;
	_ =	strace s9  }
0x27: {  	s1 =	sld [smem:$0x3FAD]  }
0x28: {  	s2 =	sld [smem:$0x3FAE]  }
0x29: {  	s4 =	sld [smem:$0x3FB0]  }
0x2a: {  	p0 =	seq.s32 s5, $0x0;
	s5 =	sld [smem:$0x3FB1]  }
0x2b: {  	s6 =	sld [smem:$0x3FB2]  }
0x2c: {  	s7 =	sld [smem:$0x3FB3]  }
0x2d: {  	s3 =	simm.s32 $0x108;
	s8 =	sld [smem:$0x3FB4]  }
0x2e: {  	s3 =	simm.s32 @!p0 $0x1082;
	s9 =	sld [smem:$0x3FB5]  }
0x2f: {  	lr =	sadd.s32 s0, s3;
	s0 =	sld [smem:$0x3FAC]  }
0x30: {  	s3 =	sld [smem:$0x3FAF]  }
0x31: {  	[smem:$0x3FB8] =	sst s10  }
0x32: {  	s10 =	sld [smem:$0x3FB6];
	_ =	sdelay $0x3  }
0x33: {  	p0 =	seq.s32 s10, $0x1;
	s10 =	sld [smem:$0x3FB8];
	_ =	sdelay $0x3  }
0x34: {  	[smem:$0x3FB8] =	sst s10  }
0x35: {  	s10 =	sld [smem:$0x3FB7];
	_ =	sdelay $0x3  }
0x36: {  	p1 =	seq.s32 s10, $0x1;
	s10 =	sld [smem:$0x3FB8];
	_ =	sdelay $0x3  }
0x37: {  	[smem:$0x3FB8] =	sst s10  }
0x38: {  	s10 =	sld [smem:$0x3FB9]  }
0x39: {  	_ = 	snop;
	(pc) =	sbr.ind lr, $3  }
0x3a: {  	_ = 	snop  }
0x3b: {  	_ = 	snop  }
0x3c: {  	p2 =	seq.s32 s10, $0x1;
	s10 =	sld [smem:$0x3FB8]  }
0x3d: {  	_ =	shalt  }
0x3e: {  	_ =	shalt  }
0x3f: {  	_ =	shalt  }
0x40: {  	_ =	shalt  }
0x41: {  	_ =	shalt  }
0x42: {  	_ =	shalt  }
0x43: {  	_ =	shalt  }
0x44: {  	_ =	shalt  }
0x45: {  	_ =	shalt  }
0x46: {  	_ =	shalt  }
0x47: {  	_ =	shalt  }
0x48: {  	_ =	shalt  }
0x49: {  	_ =	shalt  }
0x4a: {  	_ =	shalt  }
0x4b: {  	_ =	shalt  }
0x4c: {  	_ =	shalt  }
0x4d: {  	_ =	shalt  }
0x4e: {  	_ =	shalt  }
0x4f: {  	_ =	shalt  }
0x50: {  	_ =	shalt  }
0x51: {  	_ =	shalt  }
0x52: {  	_ =	shalt  }
0x53: {  	_ =	shalt  }
0x54: {  	_ =	shalt  }
0x55: {  	_ =	shalt  }
0x56: {  	_ =	shalt  }
0x57: {  	_ =	shalt  }
0x58: {  	_ =	shalt  }
0x59: {  	_ =	shalt  }
0x5a: {  	_ =	shalt  }
0x5b: {  	_ =	shalt  }
0x5c: {  	_ =	shalt  }
0x5d: {  	_ =	shalt  }
0x5e: {  	_ =	shalt  }
0x5f: {  	_ =	shalt  }
0x60: {  	_ =	shalt  }
0x61: {  	_ =	shalt  }
0x62: {  	_ =	shalt  }
0x63: {  	_ =	shalt  }
0x64: {  	_ =	shalt  }
0x65: {  	_ =	shalt  }
0x66: {  	_ =	shalt  }
0x67: {  	_ =	shalt  }
0x68: {  	_ =	shalt  }
0x69: {  	_ =	shalt  }
0x6a: {  	_ =	shalt  }
0x6b: {  	_ =	shalt  }
0x6c: {  	_ =	shalt  }
0x6d: {  	_ =	shalt  }
0x6e: {  	_ =	shalt  }
0x6f: {  	_ =	shalt  }
0x70: {  	_ =	shalt  }
0x71: {  	_ =	shalt  }
0x72: {  	_ =	shalt  }
0x73: {  	_ =	shalt  }
0x74: {  	_ =	shalt  }
0x75: {  	_ =	shalt  }
0x76: {  	_ =	shalt  }
0x77: {  	_ =	shalt  }
0x78: {  	_ =	shalt  }
0x79: {  	_ =	shalt  }
0x7a: {  	_ =	shalt  }
0x7b: {  	_ =	shalt  }
0x7c: {  	_ =	shalt  }
0x7d: {  	_ =	shalt  }
0x7e: {  	_ =	shalt  }
0x7f: {  	_ =	shalt  }
0x80: {  	_ =	shalt  }
0x81: {  	_ =	shalt  }
0x82: {  	_ =	shalt  }
0x83: {  	_ =	shalt  }
0x84: {  	_ =	shalt  }
0x85: {  	_ =	shalt  }
0x86: {  	_ =	shalt  }
0x87: {  	_ =	shalt  }
.Lfunc_end0:
.L_simem_size_0:
called_computation_lowered:
.L_overlay_start_0:
0x88: {  	s2 =	sld [smem:$0x3FD9]  }
0x89: {  	s3 =	sld [smem:$0x3FFE];
	_ =	sdelay $0x1  }
0x8a: {  	s1 =	srdreg.scid  }
0x8b: {  	s0 =	sand.u32 $0x1, s1  }
0x8c: {  	s17 =	sshll.u32 s0, $0xA;
	s2 =	sadd.s32 s3, s2  }
0x8d: {  	s2 =	sadd.s32 s2, s17  }
0x8e: {  	[smem:$0x3FC4] =	sst s2  }
0x8f: {  	_ = 	snop  }
0x90: {  	s2 =	sld [smem:$0x3FD0];
	(tm) =	ssettm $0x1  }
0x91: {  	s18 =	sld [smem:$0x3FFB];
	_ =	sdelay $0x3  }
0x92: {  	_ =	strace s18  }
0x93: {  	s3 =	sld [smem:$0x3FFC];
	_ =	sdelay $0x3  }
0x94: {  	_ =	strace s3  }
0x95: {  	s3 =	sld [smem:$0x3FFD];
	_ =	sdelay $0x3  }
0x96: {  	_ =	strace s3  }
0x97: {  	_ =	strace $0x8FFFFFFF  }
0x98: {  	s19 =	sld [smem:$0x3FDB];
	_ =	sdelay $0x1  }
0x99: {  	s4 =	simm.s32 $_scs_section_size  }
0x9a: {  	s5 =	simm.s32 $_size__tile_overlayer_lowered;
	s6 =	simm.s32 $_tile_overlayer_lowered  }
0x9b: {  	s22 =	simm.s32 $0x1BFF;
	s21 =	sshll.u32 s6, $0x1;
	s3 =	sadd.s32 s4, s19  }
0x9c: {  	s7 =	simm.s32 $0x0;
	s20 =	sshll.u32 s5, $0x1;
	s5 =	sadd.s32 s21, s3  }
0x9d: {  	[timem:s7], [sflag:s22] =	dma.local [hbm:s5], s20  }
0x9e: {  	_ =	swait.ge [sflag:s22], s20  }
0x9f: {  	s4 =	ssub.s32 $0x0, s20;
	[sflag:s22] =	ssyncset.done $0x0  }
0xa0: {  	[sflag:s22] =	ssyncadd.s32 s4;
	_ =	sdelay $0x1  }
0xa1: {  	s23 =	simm.s32 $0x1B8B  }
0xa2: {  	_ =	swait.ge [sflag:s23], $0x1  }
0xa3: {  	[sflag:s23] =	ssyncset.done $0x0  }
0xa4: {  	s25 =	simm.s32 $0x1B8E;
	s24 =	sld [smem:$0x3FFE];
	[sflag:s23] =	ssyncadd.s32 $0xFFFFFFFF  }
0xa5: {  	s26 =	simm.s32 $execute0_lowered;
	[smem:$0x3FD2] =	sst s25  }
0xa6: {  	s5 =	sshll.u32 s26, $0x1;
	_ =	strace $0x80000046;
	[dreg:$0x1] =	wrdreg $0xFFFFFFFF  }
0xa7: {  	s28 =	simm.s32 $_size_execute0_lowered;
	s3 =	sadd.s32 s3, s5;
	[dreg:$0x0] =	wrdreg $0x0  }
0xa8: {  	s5 =	sshll.u32 s28, $0x1;
	[dreg:$0x2] =	wrdreg s3  }
0xa9: {  	[dreg:$0x3] =	wrdreg s5  }
0xaa: {  	[dreg:$0x4] =	wrdreg $0xC0  }
0xab: {  	_ =	task [dreg:s7], $0x5FFFF  }
0xac: {  	[dreg:$0x1] =	wrdreg $0xFFFFFFFF  }
0xad: {  	[dreg:$0x0] =	wrdreg $0x60  }
0xae: {  	[dreg:$0x2] =	wrdreg s2  }
0xaf: {  	[dreg:$0x3] =	wrdreg s24  }
0xb0: {  	[dreg:$0x4] =	wrdreg $0x9  }
0xb1: {  	_ =	task.clear_ibuf [dreg:s7], $0x5FFFF;
	_ =	strace $0x90000046  }
0xb2: {  	s29 =	simm.s32 $0x9;
	_ =	strace $0x80000048  }
0xb3: {  	_ =	swait.ge [sflag:s29], $0x1  }
0xb4: {  	[sflag:s29] =	ssyncadd.s32 $0xFFFFFFFF  }
0xb5: {  	_ =	strace $0x90000048  }
0xb6: {  	_ =	sfence  }
0xb7: {  	s30 =	sld [smem:$0x0];
	_ =	sdelay $0x2  }
0xb8: {  	s31 =	sshll.u32 s1, $0xD;
	s1 =	sshrl.u32 s1, $0x2  }
0xb9: {  	s3 =	sand.u32 $0x4000, s31;
	s1 =	sadd.s32 s1, s30  }
0xba: {  	s0 =	sor.u32 s3, s0;
	s1 =	sshll.u32 s1, $0x11  }
0xbb: {  	s0 =	sor.u32 s1, s0  }
0xbc: {  	s0 =	sadd.s32 $0x8F2B, s0  }
0xbd: {  	[sflag:s0] =	ssyncadd.remote.s32 $0x1  }
0xbe: {  	_ =	sfence.sel $0xFFFF  }
0xbf: {  	[dreg:$0x0] =	wrdreg $0xFFFFFFFF;
	(pc) =	sbr.abs _section_cstart, $3  }
0xc0: {  	[dreg:$0x1] =	wrdreg $0xFFFFFFFF  }
0xc1: {  	_ =	task.clear_ibuf [dreg:s7], $0x2FFFF;
	_ =	strace $0x9FFFFFFF  }
0xc2: {  	(tm) =	ssettm $0x7FFFFFFF  }
0xc3: {  	_ =	shalt  }
tec
execute0_lowered:
.L_overlay_start_1:
0x0: {  	(tag) =	ssettag $0x1  }
0x1: {  	s1 =	rddreg [dreg:$0x0];
	s0 =	srdreg.scid  }
0x2: {  	s2 =	rddreg [dreg:$0x1];
	s3 =	simm.s32 $0x0;
	s10 =	stileid.u32  }
0x3: {  	s11 =	simm.s32 $0x1500;
	s12 =	simm.s32 $0x100;
	s13 =	simm.s32 $0x2500  }
0x4: {  	s14 =	simm.s32 $0x180;
	s15 =	simm.s32 $0x3500;
	s16 =	simm.s32 $0x200  }
0x5: {  	s17 =	simm.s32 $0x4500;
	s18 =	simm.s32 $0x280;
	s19 =	simm.s32 $0x5500  }
0x6: {  	s20 =	simm.s32 $0x300;
	s21 =	simm.s32 $0x6500;
	s7 =	smul.u32 $0xA0, s10  }
0x7: {  	s28 =	simm.s32 $0x9500;
	s0 =	sand.u32 $0x1, s0;
	s9 =	smul.u32 $0x1400, s10  }
0x8: {  	s29 =	simm.s32 $0x1;
	s30 =	simm.s32 $0x2;
	s4 =	smul.u32 $0xA00, s0  }
0x9: {  	s31 =	simm.s32 $0x0;
	[smem:$0x7FF] =	sst s3;
	s5 =	smul.u32 $0x14000, s0  }
0xa: {  	s6 =	ssub.s32 $0x2, s0;
	_ =	strace $0x80000047;
	s23 =	sshll.u32 s0, $0x4  }
0xb: {  	s8 =	sshrl.u32 s6, $0x1;
	s4 =	sadd.s32 s4, s2;
	s2 =	sadd.s32 s5, s2  }
0xc: {  	s22 =	ssub.s32 s6, s8;
	s8 =	simm.s32 $0x3;
	s24 =	sadd.s32 s7, s4  }
.Ltmp0:
0xd: {  	s25 =	sadd.s32 s9, s2;
	s26 =	smax.u32 s22, $0x1;
	(pc) =	sbr.rel .LBB2_1-.Ltmp0, $4  }
0xe: {  	s7 =	sor.u32 s23, s10;
	s9 =	simm.s32 $0x80;
	s10 =	simm.s32 $0x500  }
0xf: {  	s22 =	simm.s32 $0x380;
	s23 =	simm.s32 $0x7500;
	[dreg:$0x3] =	wrdreg s26  }
0x10: {  	s0 =	sadd.s32 $0xA00, s24;
	s24 =	simm.s32 $0x400;
	s26 =	simm.s32 $0x480  }
0x11: {  	[dreg:$0x4] =	wrdreg s0;
	s0 =	sadd.s32 $0xAA00, s25;
	s25 =	simm.s32 $0x8500  }
.LBB2_5:
0x12: {  	s31 =	sadd.s32 $0x1, s31;
	s2 =	rddreg [dreg:$0x3]  }
0x13: {  	p0 =	sne.s32 s31, s2  }
.Ltmp1:
0x14: {  	_ = 	snop;
	(pc) =	sbr.rel @!p0 .LBB2_6-.Ltmp1, $1  }
0x15: {  	_ =	sdelay $0x3  }
.LBB2_1:
.Ltmp2:
0x16: {  	(pc) =	sbr.rel .LBB2_2-.Ltmp2, $2  }
0x17: {  	_ =	sdelay $0x2  }
0x18: {  	s6 =	smov.u32 s0;
	s5 =	rddreg [dreg:$0x4];
	s4 =	simm.s32 $0x0  }
.LBB2_4:
0x19: {  	s4 =	sadd.s32 $0x20, s4  }
0x1a: {  	p0 =	sne.s32 s4, $0x80  }
.Ltmp3:
0x1b: {  	_ = 	snop;
	(pc) =	sbr.rel @!p0 .LBB2_5-.Ltmp3, $2  }
0x1c: {  	_ =	sdelay $0x2  }
0x1d: {  	s5 =	sadd.s32 $0x1400, s5;
	s6 =	sadd.s32 $0x28000, s6  }
.LBB2_2:
0x1e: {  	s2 =	sadd.s32 s4, s7  }
0x1f: {  	p0 =	sgt.u32 s2, $0x7C  }
.Ltmp4:
0x20: {  	_ = 	snop;
	(pc) =	sbr.rel @p0 .LBB2_4-.Ltmp4, $1  }
0x21: {  	_ =	sdelay $0x3  }
0x22: {  	[tilespmem:s3], [sflag:$0x3] =	stream.linear.gather [hbm4b:s5+s3], $0x500, $0x38;
	[tilespmem:$0xA500] =	vst v63  }
0x23: {  	_ =	swait.ge [sflag:s8], $0x500  }
0x24: {  	[sflag:s8] =	ssyncset.done $0x0  }
0x25: {  	[sflag:s8] =	ssyncadd.s32 $0xFFFFFB00  }
0x26: {  	[tilespmem:s10], [sflag:$0x1] =	stream.indirect.gather [hbm4b:s1+s9], $0x20, s3, s9, $0xb8;
	[tilespmem:$0xA500] =	vst v63  }
0x27: {  	_ = 	snop  }
0x28: {  	[tilespmem:s11], [sflag:$0x1] =	stream.indirect.gather [hbm4b:s1+s9], $0x20, s9, s9, $0xb8;
	[tilespmem:$0xA500] =	vst v63  }
0x29: {  	_ = 	snop  }
0x2a: {  	[tilespmem:s13], [sflag:$0x1] =	stream.indirect.gather [hbm4b:s1+s9], $0x20, s12, s9, $0xb8;
	[tilespmem:$0xA500] =	vst v63  }
0x2b: {  	_ = 	snop  }
0x2c: {  	[tilespmem:s15], [sflag:$0x1] =	stream.indirect.gather [hbm4b:s1+s9], $0x20, s14, s9, $0xb8;
	[tilespmem:$0xA500] =	vst v63  }
0x2d: {  	_ = 	snop  }
0x2e: {  	[tilespmem:s17], [sflag:$0x1] =	stream.indirect.gather [hbm4b:s1+s9], $0x20, s16, s9, $0xb8;
	[tilespmem:$0xA500] =	vst v63  }
0x2f: {  	_ = 	snop  }
0x30: {  	[tilespmem:s19], [sflag:$0x1] =	stream.indirect.gather [hbm4b:s1+s9], $0x20, s18, s9, $0xb8;
	[tilespmem:$0xA500] =	vst v63  }
0x31: {  	_ = 	snop  }
0x32: {  	[tilespmem:s21], [sflag:$0x1] =	stream.indirect.gather [hbm4b:s1+s9], $0x20, s20, s9, $0xb8;
	[tilespmem:$0xA500] =	vst v63  }
0x33: {  	_ = 	snop  }
0x34: {  	[tilespmem:s23], [sflag:$0x1] =	stream.indirect.gather [hbm4b:s1+s9], $0x20, s22, s9, $0xb8;
	[tilespmem:$0xA500] =	vst v63  }
0x35: {  	_ = 	snop  }
0x36: {  	[tilespmem:s25], [sflag:$0x1] =	stream.indirect.gather [hbm4b:s1+s9], $0x20, s24, s9, $0xb8;
	[tilespmem:$0xA500] =	vst v63  }
0x37: {  	_ = 	snop  }
0x38: {  	[tilespmem:s28], [sflag:$0x1] =	stream.indirect.gather [hbm4b:s1+s9], $0x20, s26, s9, $0xb8;
	[tilespmem:$0xA500] =	vst v63  }
0x39: {  	_ =	swait.ge [sflag:s29], $0x1000  }
0x3a: {  	[sflag:s29] =	ssyncset.done $0x0  }
0x3b: {  	[sflag:s29] =	ssyncadd.s32 $0xFFFFF000  }
0x3c: {  	_ =	swait.ge [sflag:s29], $0x1000  }
0x3d: {  	[sflag:s29] =	ssyncset.done $0x0  }
0x3e: {  	[sflag:s29] =	ssyncadd.s32 $0xFFFFF000  }
0x3f: {  	_ =	swait.ge [sflag:s29], $0x1000  }
0x40: {  	[sflag:s29] =	ssyncset.done $0x0  }
0x41: {  	[sflag:s29] =	ssyncadd.s32 $0xFFFFF000  }
0x42: {  	_ =	swait.ge [sflag:s29], $0x1000  }
0x43: {  	[sflag:s29] =	ssyncset.done $0x0  }
0x44: {  	[sflag:s29] =	ssyncadd.s32 $0xFFFFF000  }
0x45: {  	_ =	swait.ge [sflag:s29], $0x1000  }
0x46: {  	[sflag:s29] =	ssyncset.done $0x0  }
0x47: {  	[sflag:s29] =	ssyncadd.s32 $0xFFFFF000  }
0x48: {  	_ =	swait.ge [sflag:s29], $0x1000  }
0x49: {  	[sflag:s29] =	ssyncset.done $0x0  }
0x4a: {  	[sflag:s29] =	ssyncadd.s32 $0xFFFFF000  }
0x4b: {  	_ =	swait.ge [sflag:s29], $0x1000  }
0x4c: {  	[sflag:s29] =	ssyncset.done $0x0  }
0x4d: {  	[sflag:s29] =	ssyncadd.s32 $0xFFFFF000  }
0x4e: {  	_ =	swait.ge [sflag:s29], $0x1000  }
0x4f: {  	[sflag:s29] =	ssyncset.done $0x0  }
0x50: {  	[sflag:s29] =	ssyncadd.s32 $0xFFFFF000  }
0x51: {  	_ =	swait.ge [sflag:s29], $0x1000  }
0x52: {  	[sflag:s29] =	ssyncset.done $0x0  }
0x53: {  	[sflag:s29] =	ssyncadd.s32 $0xFFFFF000  }
0x54: {  	_ =	swait.ge [sflag:s29], $0x1000  }
0x55: {  	[sflag:s29] =	ssyncset.done $0x0  }
.Ltmp5:
0x56: {  	[sflag:s29] =	ssyncadd.s32 $0xFFFFF000;
	(pc) =	sbr.rel .LBB2_4-.Ltmp5, $4  }
0x57: {  	[hbm4b:s6+s3] =	stream.linear.scatter [tilespmem:s10], [sflag:$0x2], $0xA000, $0x38;
	[tilespmem:$0xA500] =	vst v63  }
0x58: {  	_ =	swait.ge [sflag:s30], $0xA000  }
0x59: {  	[sflag:s30] =	ssyncset.done $0x0  }
0x5a: {  	[sflag:s30] =	ssyncadd.s32 $0xFFFF6000  }
.LBB2_6:
0x5b: {  	_ =	sfence.sel $0x180000  }
0x5c: {  	[bflag:$0x0] =	sbarrier.arrive $0xFFFF  }
0x5d: {  	_ =	strace $0x90000047  }
0x5e: {  	s0 =	stileid.u32;
	[bflag:$0x2] =	sbarrier.arrive $0xFFFF  }
0x5f: {  	p0 =	sne.s32 s0, $0x0;
	s0 =	rddreg [dreg:$0x2]  }
0x60: {  	s0 =	sadd.s32 @!p0 $0x100000, s0  }
0x61: {  	[sflag:s0] =	ssyncadd.tile.s32 @!p0 $0x1;
	_ =	shalt  }
.Lfunc_end2:
_tile_overlayer_lowered:
.L_overlay_start_2:
0x62: {  	(tag) =	ssettag $0x2  }
0x63: {  	s0 =	rddreg [dreg:$0x0];
	s2 =	stileid.u32  }
0x64: {  	s1 =	rddreg [dreg:$0x1];
	p0 =	sne.s32 s2, $0x0  }
0x65: {  	s3 =	rddreg [dreg:$0x2];
	[bflag:$0x3] =	sbarrier.arrive $0xFFFF;
	s2 =	simm.s32 @!p0 $0x1C02  }
0x66: {  	[timem:s3], [sflag:s2] =	dma.local @!p0 [hbm:s0], s1  }
0x67: {  	s0 =	simm.s32 @!p0 $0x2  }
0x68: {  	_ =	swait.ge @!p0 [sflag:s0], s1  }
0x69: {  	s1 =	ssub.s32 @!p0 $0x0, s1;
	[sflag:s0] =	ssyncset.done @!p0 $0x0  }
0x6a: {  	[sflag:s0] =	ssyncadd.s32 @!p0 s1  }
0x6b: {  	[bflag:$0x3] =	sbarrier.arrive $0xFFFF  }
0x6c: {  	_ =	shalt  }

// kernel: kernel.9.cloned.1.call-start
scs
__scs_entry_jumppad:
0x0: {  	(pc) =	sbr.rel $0x88, $3  }
0x1: {  	(tag) =	ssettag $0x0;
	lr =	simm.s32 $0x1  }
0x2: {  	[smem:$0x3F9D] =	sst lr;
	_ =	strace $0xD0000000  }
0x3: {  	_ = 	snop  }
0x4: {  	_ = 	snop  }
0x5: {  	_ = 	snop  }
0x6: {  	_ = 	snop  }
0x7: {  	_ = 	snop  }
__scs_overlays_trampoline_lowered:
0x8: {  	[smem:$0x3FAC] =	sst s0  }
0x9: {  	[smem:$0x3FAD] =	sst s1  }
0xa: {  	[smem:$0x3FAE] =	sst s2  }
0xb: {  	[smem:$0x3FAF] =	sst s3  }
0xc: {  	[smem:$0x3FB0] =	sst s4  }
0xd: {  	[smem:$0x3FB1] =	sst s5  }
0xe: {  	[smem:$0x3FB2] =	sst s6  }
0xf: {  	[smem:$0x3FB3] =	sst s7  }
0x10: {  	[smem:$0x3FB4] =	sst s8  }
0x11: {  	[smem:$0x3FB5] =	sst s9;
	s0 =	simm.s32 @!p0 $0x0  }
0x12: {  	s1 =	sld [smem:$0x3F9B];
	s0 =	simm.s32 @p0 $0x1  }
0x13: {  	[smem:$0x3FB6] =	sst s0;
	s0 =	simm.s32 @!p1 $0x0  }
0x14: {  	s2 =	sld [smem:$0x3F9A];
	s0 =	simm.s32 @p1 $0x1  }
0x15: {  	[smem:$0x3FB7] =	sst s0;
	s0 =	simm.s32 @!p2 $0x0  }
0x16: {  	s3 =	sld [smem:$0x3FDB];
	s0 =	simm.s32 @p2 $0x1  }
0x17: {  	s4 =	simm.s32 $0x1BF5;
	[smem:$0x3FB9] =	sst s0  }
0x18: {  	s0 =	sld [smem:$0x3F9C];
	_ =	swait.ge [sflag:s4], $0x0  }
0x19: {  	s7 =	sld [smem:$0x3F9D]  }
0x1a: {  	s8 =	sadd.s32 $0xFFFFE003, lr  }
0x1b: {  	s9 =	sadd.s32 $0xFFFFFEF7, lr;
	s5 =	simm.s32 $0xFFFFFFFF;
	p2 =	slt.u32 s8, $0xFFFFF086  }
0x1c: {  	p1 =	slt.u32 s9, $0xF7A;
	s5 =	simm.s32 @!p2 $0x0  }
0x1d: {  	s5 =	simm.s32 @p1 $0x1;
	p0 =	seq.s32 s7, s2  }
0x1e: {  	s7 =	smul.u32 @!p0 $0xF7A, s2;
	p2 =	seq.s32 @!p0 s5, $0x0  }
0x1f: {  	s9 =	smul.u32 $0xF7A, s1;
	s8 =	simm.s32 @!p0 $0x1BF5;
	p2 =	por !p2, p0  }
0x20: {  	[sflag:s8] =	ssyncset.s32 @!p0 $0xFFFFF086;
	s6 =	sadd.s32 @!p0 s3, s7;
	s7 =	simm.s32 @!p0 $0x108  }
0x21: {  	s3 =	sadd.s32 s3, s9;
	s6 =	sadd.s32 @!p0 $0x88, s6;
	s7 =	simm.s32 @p2 $0x1082  }
0x22: {  	[simem:s7], [sflag:s8] =	dma.local @!p0 [hbm:s6], $0xF7A  }
0x23: {  	s9 =	sor.u32 $0xD0000000, s2;
	s6 =	simm.s32 $0x108;
	_ =	swait.ge @!p0 [sflag:s8], $0x0  }
0x24: {  	s3 =	sadd.s32 $0x88, s3;
	s6 =	simm.s32 @!p1 $0x1082;
	[sflag:s4] =	ssyncset.s32 $0xFFFFF086  }
0x25: {  	[simem:s6], [sflag:s4] =	dma.local [hbm:s3], $0xF7A  }
0x26: {  	[smem:$0x3F9D] =	sst s1;
	(tag) =	ssettag s2;
	_ =	strace s9  }
0x27: {  	s1 =	sld [smem:$0x3FAD]  }
0x28: {  	s2 =	sld [smem:$0x3FAE]  }
0x29: {  	s4 =	sld [smem:$0x3FB0]  }
0x2a: {  	p0 =	seq.s32 s5, $0x0;
	s5 =	sld [smem:$0x3FB1]  }
0x2b: {  	s6 =	sld [smem:$0x3FB2]  }
0x2c: {  	s7 =	sld [smem:$0x3FB3]  }
0x2d: {  	s3 =	simm.s32 $0x108;
	s8 =	sld [smem:$0x3FB4]  }
0x2e: {  	s3 =	simm.s32 @!p0 $0x1082;
	s9 =	sld [smem:$0x3FB5]  }
0x2f: {  	lr =	sadd.s32 s0, s3;
	s0 =	sld [smem:$0x3FAC]  }
0x30: {  	s3 =	sld [smem:$0x3FAF]  }
0x31: {  	[smem:$0x3FB8] =	sst s10  }
0x32: {  	s10 =	sld [smem:$0x3FB6];
	_ =	sdelay $0x3  }
0x33: {  	p0 =	seq.s32 s10, $0x1;
	s10 =	sld [smem:$0x3FB8];
	_ =	sdelay $0x3  }
0x34: {  	[smem:$0x3FB8] =	sst s10  }
0x35: {  	s10 =	sld [smem:$0x3FB7];
	_ =	sdelay $0x3  }
0x36: {  	p1 =	seq.s32 s10, $0x1;
	s10 =	sld [smem:$0x3FB8];
	_ =	sdelay $0x3  }
0x37: {  	[smem:$0x3FB8] =	sst s10  }
0x38: {  	s10 =	sld [smem:$0x3FB9]  }
0x39: {  	_ = 	snop;
	(pc) =	sbr.ind lr, $3  }
0x3a: {  	_ = 	snop  }
0x3b: {  	_ = 	snop  }
0x3c: {  	p2 =	seq.s32 s10, $0x1;
	s10 =	sld [smem:$0x3FB8]  }
0x3d: {  	_ =	shalt  }
0x3e: {  	_ =	shalt  }
0x3f: {  	_ =	shalt  }
0x40: {  	_ =	shalt  }
0x41: {  	_ =	shalt  }
0x42: {  	_ =	shalt  }
0x43: {  	_ =	shalt  }
0x44: {  	_ =	shalt  }
0x45: {  	_ =	shalt  }
0x46: {  	_ =	shalt  }
0x47: {  	_ =	shalt  }
0x48: {  	_ =	shalt  }
0x49: {  	_ =	shalt  }
0x4a: {  	_ =	shalt  }
0x4b: {  	_ =	shalt  }
0x4c: {  	_ =	shalt  }
0x4d: {  	_ =	shalt  }
0x4e: {  	_ =	shalt  }
0x4f: {  	_ =	shalt  }
0x50: {  	_ =	shalt  }
0x51: {  	_ =	shalt  }
0x52: {  	_ =	shalt  }
0x53: {  	_ =	shalt  }
0x54: {  	_ =	shalt  }
0x55: {  	_ =	shalt  }
0x56: {  	_ =	shalt  }
0x57: {  	_ =	shalt  }
0x58: {  	_ =	shalt  }
0x59: {  	_ =	shalt  }
0x5a: {  	_ =	shalt  }
0x5b: {  	_ =	shalt  }
0x5c: {  	_ =	shalt  }
0x5d: {  	_ =	shalt  }
0x5e: {  	_ =	shalt  }
0x5f: {  	_ =	shalt  }
0x60: {  	_ =	shalt  }
0x61: {  	_ =	shalt  }
0x62: {  	_ =	shalt  }
0x63: {  	_ =	shalt  }
0x64: {  	_ =	shalt  }
0x65: {  	_ =	shalt  }
0x66: {  	_ =	shalt  }
0x67: {  	_ =	shalt  }
0x68: {  	_ =	shalt  }
0x69: {  	_ =	shalt  }
0x6a: {  	_ =	shalt  }
0x6b: {  	_ =	shalt  }
0x6c: {  	_ =	shalt  }
0x6d: {  	_ =	shalt  }
0x6e: {  	_ =	shalt  }
0x6f: {  	_ =	shalt  }
0x70: {  	_ =	shalt  }
0x71: {  	_ =	shalt  }
0x72: {  	_ =	shalt  }
0x73: {  	_ =	shalt  }
0x74: {  	_ =	shalt  }
0x75: {  	_ =	shalt  }
0x76: {  	_ =	shalt  }
0x77: {  	_ =	shalt  }
0x78: {  	_ =	shalt  }
0x79: {  	_ =	shalt  }
0x7a: {  	_ =	shalt  }
0x7b: {  	_ =	shalt  }
0x7c: {  	_ =	shalt  }
0x7d: {  	_ =	shalt  }
0x7e: {  	_ =	shalt  }
0x7f: {  	_ =	shalt  }
0x80: {  	_ =	shalt  }
0x81: {  	_ =	shalt  }
0x82: {  	_ =	shalt  }
0x83: {  	_ =	shalt  }
0x84: {  	_ =	shalt  }
0x85: {  	_ =	shalt  }
0x86: {  	_ =	shalt  }
0x87: {  	_ =	shalt  }
.Lfunc_end0:
.L_simem_size_0:
called_computation.1_lowered:
.L_overlay_start_0:
0x88: {  	s2 =	sld [smem:$0x3FD9]  }
0x89: {  	s3 =	sld [smem:$0x3FFE];
	_ =	sdelay $0x1  }
0x8a: {  	s1 =	srdreg.scid  }
0x8b: {  	s0 =	sand.u32 $0x1, s1  }
0x8c: {  	s17 =	sshll.u32 s0, $0xA;
	s2 =	sadd.s32 s3, s2  }
0x8d: {  	s2 =	sadd.s32 s2, s17  }
0x8e: {  	[smem:$0x3FC4] =	sst s2  }
0x8f: {  	_ = 	snop  }
0x90: {  	s2 =	sld [smem:$0x3FD0];
	(tm) =	ssettm $0x1  }
0x91: {  	s18 =	sld [smem:$0x3FFB];
	_ =	sdelay $0x3  }
0x92: {  	_ =	strace s18  }
0x93: {  	s3 =	sld [smem:$0x3FFC];
	_ =	sdelay $0x3  }
0x94: {  	_ =	strace s3  }
0x95: {  	s3 =	sld [smem:$0x3FFD];
	_ =	sdelay $0x3  }
0x96: {  	_ =	strace s3  }
0x97: {  	_ =	strace $0x8FFFFFFF  }
0x98: {  	s19 =	sld [smem:$0x3FDB];
	_ =	sdelay $0x1  }
0x99: {  	s4 =	simm.s32 $_scs_section_size  }
0x9a: {  	s5 =	simm.s32 $_size__tile_overlayer_lowered;
	s6 =	simm.s32 $_tile_overlayer_lowered  }
0x9b: {  	s22 =	simm.s32 $0x1BFF;
	s21 =	sshll.u32 s6, $0x1;
	s3 =	sadd.s32 s4, s19  }
0x9c: {  	s7 =	simm.s32 $0x0;
	s20 =	sshll.u32 s5, $0x1;
	s5 =	sadd.s32 s21, s3  }
0x9d: {  	[timem:s7], [sflag:s22] =	dma.local [hbm:s5], s20  }
0x9e: {  	_ =	swait.ge [sflag:s22], s20  }
0x9f: {  	s4 =	ssub.s32 $0x0, s20;
	[sflag:s22] =	ssyncset.done $0x0  }
0xa0: {  	[sflag:s22] =	ssyncadd.s32 s4;
	_ =	sdelay $0x1  }
0xa1: {  	s23 =	simm.s32 $0x1B8B  }
0xa2: {  	_ =	swait.ge [sflag:s23], $0x1  }
0xa3: {  	[sflag:s23] =	ssyncset.done $0x0  }
0xa4: {  	s25 =	simm.s32 $0x1B8E;
	s24 =	sld [smem:$0x3FFE];
	[sflag:s23] =	ssyncadd.s32 $0xFFFFFFFF  }
0xa5: {  	s26 =	simm.s32 $execute0_lowered;
	[smem:$0x3FD2] =	sst s25  }
0xa6: {  	s5 =	sshll.u32 s26, $0x1;
	_ =	strace $0x80000049;
	[dreg:$0x1] =	wrdreg $0xFFFFFFFF  }
0xa7: {  	s28 =	simm.s32 $_size_execute0_lowered;
	s3 =	sadd.s32 s3, s5;
	[dreg:$0x0] =	wrdreg $0x0  }
0xa8: {  	s5 =	sshll.u32 s28, $0x1;
	[dreg:$0x2] =	wrdreg s3  }
0xa9: {  	[dreg:$0x3] =	wrdreg s5  }
0xaa: {  	[dreg:$0x4] =	wrdreg $0xC0  }
0xab: {  	_ =	task [dreg:s7], $0x5FFFF  }
0xac: {  	[dreg:$0x1] =	wrdreg $0xFFFFFFFF  }
0xad: {  	[dreg:$0x0] =	wrdreg $0x60  }
0xae: {  	[dreg:$0x2] =	wrdreg s24  }
0xaf: {  	[dreg:$0x3] =	wrdreg s2  }
0xb0: {  	[dreg:$0x4] =	wrdreg $0x0  }
0xb1: {  	[dreg:$0x5] =	wrdreg $0x4E200  }
0xb2: {  	[dreg:$0x6] =	wrdreg $0x9  }
0xb3: {  	_ =	task.clear_ibuf [dreg:s7], $0x7FFFF;
	_ =	strace $0x90000049  }
0xb4: {  	s29 =	simm.s32 $0x9;
	_ =	strace $0x8000004B  }
0xb5: {  	_ =	swait.ge [sflag:s29], $0x1  }
0xb6: {  	[sflag:s29] =	ssyncadd.s32 $0xFFFFFFFF  }
0xb7: {  	_ =	strace $0x9000004B  }
0xb8: {  	_ =	sfence  }
0xb9: {  	s30 =	sld [smem:$0x0];
	_ =	sdelay $0x2  }
0xba: {  	s31 =	sshll.u32 s1, $0xD;
	s1 =	sshrl.u32 s1, $0x2  }
0xbb: {  	s3 =	sand.u32 $0x4000, s31;
	s1 =	sadd.s32 s1, s30  }
0xbc: {  	s0 =	sor.u32 s3, s0;
	s1 =	sshll.u32 s1, $0x11  }
0xbd: {  	s0 =	sor.u32 s1, s0  }
0xbe: {  	s0 =	sadd.s32 $0x8F2B, s0  }
0xbf: {  	[sflag:s0] =	ssyncadd.remote.s32 $0x1  }
0xc0: {  	_ =	sfence.sel $0xFFFF  }
0xc1: {  	[dreg:$0x0] =	wrdreg $0xFFFFFFFF;
	(pc) =	sbr.abs _section_cstart, $3  }
0xc2: {  	[dreg:$0x1] =	wrdreg $0xFFFFFFFF  }
0xc3: {  	_ =	task.clear_ibuf [dreg:s7], $0x2FFFF;
	_ =	strace $0x9FFFFFFF  }
0xc4: {  	(tm) =	ssettm $0x7FFFFFFF  }
0xc5: {  	_ =	shalt  }
tec
execute0_lowered:
.L_overlay_start_1:
0x0: {  	(tag) =	ssettag $0x1  }
0x1: {  	s0 =	rddreg [dreg:$0x0]  }
0x2: {  	s2 =	rddreg [dreg:$0x1]  }
0x3: {  	s1 =	rddreg [dreg:$0x2]  }
0x4: {  	s4 =	srdreg.scid;
	s12 =	stileid.u32  }
0x5: {  	s3 =	rddreg [dreg:$0x3];
	s16 =	simm.s32 $0x3;
	s7 =	smul.u32 $0x4E20, s12  }
0x6: {  	s17 =	simm.s32 $0x14140;
	s28 =	simm.s32 $0x9E40;
	s20 =	smul.u32 $0xA0, s12  }
0x7: {  	s29 =	simm.s32 $0xE140;
	s5 =	sand.u32 $0x1, s4;
	s21 =	smul.u32 $0x1400, s12  }
0x8: {  	s30 =	simm.s32 $0x9EC0;
	s31 =	simm.s32 $0xF140;
	s6 =	smul.u32 $0x14000, s5  }
0x9: {  	s4 =	simm.s32 $0x0;
	s13 =	sadd.s32 $0xA00, s0;
	s8 =	smul.u32 $0x4E200, s5  }
0xa: {  	[smem:$0x7FF] =	sst s4;
	s9 =	smul.u32 $0xA00, s5;
	s10 =	ssub.s32 $0x2, s5  }
0xb: {  	s5 =	sshll.u32 s5, $0x4;
	_ =	strace $0x8000004A;
	s11 =	sshrl.u32 s10, $0x1  }
0xc: {  	[dreg:$0x5] =	wrdreg s13;
	s19 =	sshrl.u32 s7, $0x3;
	s15 =	sadd.s32 s7, s1  }
0xd: {  	s22 =	sadd.s32 s7, s3;
	s14 =	sor.u32 s5, s12;
	s5 =	simm.s32 $0x9FC0  }
0xe: {  	s12 =	simm.s32 $0x13140;
	s13 =	simm.s32 $0x1;
	s6 =	sadd.s32 s6, s0  }
0xf: {  	s8 =	sadd.s32 s7, s8;
	s9 =	sadd.s32 s9, s0;
	s18 =	ssub.s32 s10, s11  }
0x10: {  	s2 =	sadd.s32 s2, s19;
	s19 =	simm.s32 $0xA140;
	[dreg:$0x7] =	wrdreg s15  }
0x11: {  	s10 =	simm.s32 $0x12140;
	s11 =	simm.s32 $0xA0C0;
	[dreg:$0x8] =	wrdreg s22  }
0x12: {  	s7 =	simm.s32 $0x2;
	s8 =	sshrl.u32 s8, $0x3;
	[dreg:$0x6] =	wrdreg s2  }
0x13: {  	s24 =	smax.u32 s18, $0x1;
	s25 =	sadd.s32 s20, s9;
	s2 =	sadd.s32 s21, s6  }
0x14: {  	s18 =	simm.s32 $0x9C40;
	s20 =	simm.s32 $0x80;
	s21 =	simm.s32 $0x9CC0  }
0x15: {  	s6 =	simm.s32 $0x11140;
	s9 =	simm.s32 $0xA040;
	s0 =	sadd.s32 s8, s0  }
0x16: {  	[dreg:$0xb] =	wrdreg s24;
	s26 =	sadd.s32 $0xAA00, s2;
	s24 =	simm.s32 $0x15140  }
.Ltmp0:
0x17: {  	s8 =	simm.s32 $0x0;
	[dreg:$0xd] =	wrdreg s26;
	(pc) =	sbr.rel .LBB2_1-.Ltmp0, $4  }
0x18: {  	s2 =	simm.s32 $0x10140;
	s23 =	sadd.s32 $0xA6E00, s0;
	[dreg:$0xe] =	wrdreg s8  }
0x19: {  	s0 =	sadd.s32 $0xBA800, s0;
	s26 =	simm.s32 $0xD140;
	[dreg:$0x9] =	wrdreg s23  }
0x1a: {  	[dreg:$0xa] =	wrdreg s0;
	s0 =	sadd.s32 $0x5A00, s25;
	s23 =	simm.s32 $0x9D40  }
0x1b: {  	s25 =	simm.s32 $0x9DC0;
	[dreg:$0xc] =	wrdreg s0;
	s0 =	simm.s32 $0x9F40  }
.LBB2_5:
0x1c: {  	[bflag:$0x0] =	sbarrier.arrive $0xFFFF  }
0x1d: {  	s24 =	simm.s32 $0x15140;
	s15 =	rddreg [dreg:$0x7]  }
0x1e: {  	[tilespmem:s24], [sflag:$0x3] =	stream.linear.gather [spmem:s15], $0x4E20, $0x38;
	[tilespmem:$0x19F60] =	vst v63  }
0x1f: {  	_ =	swait.ge [sflag:s16], $0x4E20  }
0x20: {  	[sflag:s16] =	ssyncset.done $0x0  }
0x21: {  	s8 =	rddreg [dreg:$0x9];
	[sflag:s16] =	ssyncadd.s32 $0xFFFFB1E0  }
0x22: {  	[hbm4b:s8+s4] =	stream.linear.scatter [tilespmem:s24], [sflag:$0x3], $0x4E20, $0x38;
	[tilespmem:$0x19F60] =	vst v63  }
0x23: {  	_ =	swait.ge [sflag:s16], $0x4E20  }
0x24: {  	[sflag:s16] =	ssyncset.done $0x0  }
0x25: {  	s22 =	rddreg [dreg:$0x8];
	[sflag:s16] =	ssyncadd.s32 $0xFFFFB1E0  }
0x26: {  	[tilespmem:s24], [sflag:$0x3] =	stream.linear.gather [spmem:s22], $0x4E20, $0x38;
	[tilespmem:$0x19F60] =	vst v63  }
0x27: {  	_ =	swait.ge [sflag:s16], $0x4E20  }
0x28: {  	[sflag:s16] =	ssyncset.done $0x0  }
0x29: {  	s26 =	rddreg [dreg:$0xa];
	[sflag:s16] =	ssyncadd.s32 $0xFFFFB1E0  }
0x2a: {  	[hbm4b:s26+s4] =	stream.linear.scatter [tilespmem:s24], [sflag:$0x3], $0x4E20, $0x38;
	[tilespmem:$0x19F60] =	vst v63  }
0x2b: {  	_ =	swait.ge [sflag:s16], $0x4E20  }
0x2c: {  	s26 =	rddreg [dreg:$0xe]  }
0x2d: {  	s8 =	rddreg [dreg:$0xb];
	s26 =	sadd.s32 $0x1, s26  }
0x2e: {  	p0 =	sne.s32 s26, s8  }
.Ltmp1:
0x2f: {  	_ = 	snop;
	(pc) =	sbr.rel @!p0 .LBB2_6-.Ltmp1, $3  }
0x30: {  	_ =	sdelay $0x1  }
0x31: {  	[sflag:s16] =	ssyncset.done $0x0  }
0x32: {  	[sflag:s16] =	ssyncadd.s32 $0xFFFFB1E0;
	[dreg:$0xe] =	wrdreg s26;
	s26 =	simm.s32 $0xD140  }
.LBB2_1:
0x33: {  	s8 =	rddreg [dreg:$0x6]  }
0x34: {  	[tilespmem:s24], [sflag:$0x3] =	stream.linear.gather [hbm4b:s8+s4], $0x4E20, $0x38;
	[tilespmem:$0x19F60] =	vst v63  }
0x35: {  	_ =	swait.ge [sflag:s16], $0x4E20  }
0x36: {  	[sflag:s16] =	ssyncset.done $0x0  }
0x37: {  	[sflag:s16] =	ssyncadd.s32 $0xFFFFB1E0  }
0x38: {  	[spmem:s15] =	stream.linear.scatter [tilespmem:s24], [sflag:$0x3], $0x4E20, $0x38;
	[tilespmem:$0x19F60] =	vst v63  }
0x39: {  	_ =	swait.ge [sflag:s16], $0x4E20  }
0x3a: {  	[sflag:s16] =	ssyncset.done $0x0  }
0x3b: {  	[sflag:s16] =	ssyncadd.s32 $0xFFFFB1E0  }
0x3c: {  	[spmem:s22] =	stream.linear.scatter [tilespmem:s24], [sflag:$0x3], $0x4E20, $0x38;
	[tilespmem:$0x19F60] =	vst v63  }
0x3d: {  	_ =	swait.ge [sflag:s16], $0x4E20  }
0x3e: {  	[sflag:s16] =	ssyncset.done $0x0  }
0x3f: {  	s24 =	rddreg [dreg:$0x5];
	[sflag:s16] =	ssyncadd.s32 $0xFFFFB1E0  }
0x40: {  	[tilespmem:s17], [sflag:$0x3] =	stream.linear.gather [hbm4b:s24+s4], $0x1000, $0x38;
	[tilespmem:$0x19F60] =	vst v63  }
0x41: {  	_ =	swait.ge [sflag:s16], $0x1000  }
.Ltmp2:
0x42: {  	[sflag:s16] =	ssyncset.done $0x0;
	(pc) =	sbr.rel .LBB2_2-.Ltmp2, $4  }
0x43: {  	[sflag:s16] =	ssyncadd.s32 $0xFFFFF000  }
0x44: {  	[bflag:$0x0] =	sbarrier.arrive $0xFFFF  }
0x45: {  	s15 =	rddreg [dreg:$0xd]  }
0x46: {  	s22 =	simm.s32 $0x0;
	s8 =	rddreg [dreg:$0xc]  }
.LBB2_4:
0x47: {  	s22 =	sadd.s32 $0x20, s22  }
0x48: {  	p0 =	sne.s32 s22, $0x80  }
.Ltmp3:
0x49: {  	_ = 	snop;
	(pc) =	sbr.rel @!p0 .LBB2_5-.Ltmp3, $2  }
0x4a: {  	_ =	sdelay $0x2  }
0x4b: {  	s8 =	sadd.s32 $0x1400, s8;
	s15 =	sadd.s32 $0x28000, s15  }
.LBB2_2:
0x4c: {  	s24 =	sadd.s32 s22, s14  }
0x4d: {  	p0 =	sgt.u32 s24, $0x7C  }
.Ltmp4:
0x4e: {  	_ = 	snop;
	(pc) =	sbr.rel @p0 .LBB2_4-.Ltmp4, $1  }
0x4f: {  	_ =	sdelay $0x3  }
0x50: {  	[tilespmem:s18], [sflag:$0x3] =	stream.linear.gather [hbm4b:s8+s4], $0x500, $0x38;
	[tilespmem:$0x19F60] =	vst v63  }
0x51: {  	_ =	swait.ge [sflag:s16], $0x500  }
0x52: {  	[sflag:s16] =	ssyncset.done $0x0  }
0x53: {  	[sflag:s16] =	ssyncadd.s32 $0xFFFFFB00  }
0x54: {  	[tilespmem:s19], [sflag:$0x3] =	stream.linear.gather [hbm4b:s15+s4], $0xA000, $0x38;
	[tilespmem:$0x19F60] =	vst v63  }
0x55: {  	_ =	swait.ge [sflag:s16], $0xA000  }
0x56: {  	[sflag:s16] =	ssyncset.done $0x0  }
0x57: {  	[sflag:s16] =	ssyncadd.s32 $0xFFFF6000  }
0x58: {  	[spmem:s1] =	stream.indirect.scatter.add.f32 [tilespmem:s19], [sflag:$0x1], $0x20, s18, s20, $0xb8;
	[tilespmem:$0x19F60] =	vst v63  }
0x59: {  	_ = 	snop  }
0x5a: {  	[spmem:s3] =	stream.indirect.scatter.add.f32 [tilespmem:s17], [sflag:$0x2], $0x20, s18, s20, $0xb8;
	[tilespmem:$0x19F60] =	vst v63  }
0x5b: {  	s24 =	simm.s32 $0xB140  }
0x5c: {  	[spmem:s1] =	stream.indirect.scatter.add.f32 [tilespmem:s24], [sflag:$0x1], $0x20, s21, s20, $0xb8;
	[tilespmem:$0x19F60] =	vst v63  }
0x5d: {  	_ = 	snop  }
0x5e: {  	[spmem:s3] =	stream.indirect.scatter.add.f32 [tilespmem:s17], [sflag:$0x2], $0x20, s21, s20, $0xb8;
	[tilespmem:$0x19F60] =	vst v63  }
0x5f: {  	s24 =	simm.s32 $0xC140  }
0x60: {  	[spmem:s1] =	stream.indirect.scatter.add.f32 [tilespmem:s24], [sflag:$0x1], $0x20, s23, s20, $0xb8;
	[tilespmem:$0x19F60] =	vst v63  }
0x61: {  	_ = 	snop  }
0x62: {  	[spmem:s3] =	stream.indirect.scatter.add.f32 [tilespmem:s17], [sflag:$0x2], $0x20, s23, s20, $0xb8;
	[tilespmem:$0x19F60] =	vst v63  }
0x63: {  	_ = 	snop  }
0x64: {  	[spmem:s1] =	stream.indirect.scatter.add.f32 [tilespmem:s26], [sflag:$0x1], $0x20, s25, s20, $0xb8;
	[tilespmem:$0x19F60] =	vst v63  }
0x65: {  	_ = 	snop  }
0x66: {  	[spmem:s3] =	stream.indirect.scatter.add.f32 [tilespmem:s17], [sflag:$0x2], $0x20, s25, s20, $0xb8;
	[tilespmem:$0x19F60] =	vst v63  }
0x67: {  	_ = 	snop  }
0x68: {  	[spmem:s1] =	stream.indirect.scatter.add.f32 [tilespmem:s29], [sflag:$0x1], $0x20, s28, s20, $0xb8;
	[tilespmem:$0x19F60] =	vst v63  }
0x69: {  	_ = 	snop  }
0x6a: {  	[spmem:s3] =	stream.indirect.scatter.add.f32 [tilespmem:s17], [sflag:$0x2], $0x20, s28, s20, $0xb8;
	[tilespmem:$0x19F60] =	vst v63  }
0x6b: {  	_ = 	snop  }
0x6c: {  	[spmem:s1] =	stream.indirect.scatter.add.f32 [tilespmem:s31], [sflag:$0x1], $0x20, s30, s20, $0xb8;
	[tilespmem:$0x19F60] =	vst v63  }
0x6d: {  	_ = 	snop  }
0x6e: {  	[spmem:s3] =	stream.indirect.scatter.add.f32 [tilespmem:s17], [sflag:$0x2], $0x20, s30, s20, $0xb8;
	[tilespmem:$0x19F60] =	vst v63  }
0x6f: {  	_ = 	snop  }
0x70: {  	[spmem:s1] =	stream.indirect.scatter.add.f32 [tilespmem:s2], [sflag:$0x1], $0x20, s0, s20, $0xb8;
	[tilespmem:$0x19F60] =	vst v63  }
0x71: {  	_ = 	snop  }
0x72: {  	[spmem:s3] =	stream.indirect.scatter.add.f32 [tilespmem:s17], [sflag:$0x2], $0x20, s0, s20, $0xb8;
	[tilespmem:$0x19F60] =	vst v63  }
0x73: {  	_ = 	snop  }
0x74: {  	[spmem:s1] =	stream.indirect.scatter.add.f32 [tilespmem:s6], [sflag:$0x1], $0x20, s5, s20, $0xb8;
	[tilespmem:$0x19F60] =	vst v63  }
0x75: {  	_ = 	snop  }
0x76: {  	[spmem:s3] =	stream.indirect.scatter.add.f32 [tilespmem:s17], [sflag:$0x2], $0x20, s5, s20, $0xb8;
	[tilespmem:$0x19F60] =	vst v63  }
0x77: {  	_ = 	snop  }
0x78: {  	[spmem:s1] =	stream.indirect.scatter.add.f32 [tilespmem:s10], [sflag:$0x1], $0x20, s9, s20, $0xb8;
	[tilespmem:$0x19F60] =	vst v63  }
0x79: {  	_ = 	snop  }
0x7a: {  	[spmem:s3] =	stream.indirect.scatter.add.f32 [tilespmem:s17], [sflag:$0x2], $0x20, s9, s20, $0xb8;
	[tilespmem:$0x19F60] =	vst v63  }
0x7b: {  	_ = 	snop  }
0x7c: {  	[spmem:s1] =	stream.indirect.scatter.add.f32 [tilespmem:s12], [sflag:$0x1], $0x20, s11, s20, $0xb8;
	[tilespmem:$0x19F60] =	vst v63  }
0x7d: {  	_ = 	snop  }
0x7e: {  	[spmem:s3] =	stream.indirect.scatter.add.f32 [tilespmem:s17], [sflag:$0x2], $0x20, s11, s20, $0xb8;
	[tilespmem:$0x19F60] =	vst v63  }
0x7f: {  	_ =	swait.ge [sflag:s13], $0x1000  }
0x80: {  	[sflag:s13] =	ssyncset.done $0x0  }
0x81: {  	[sflag:s13] =	ssyncadd.s32 $0xFFFFF000  }
0x82: {  	_ =	swait.ge [sflag:s7], $0x1000  }
0x83: {  	[sflag:s7] =	ssyncset.done $0x0  }
0x84: {  	[sflag:s7] =	ssyncadd.s32 $0xFFFFF000  }
0x85: {  	_ =	swait.ge [sflag:s13], $0x1000  }
0x86: {  	[sflag:s13] =	ssyncset.done $0x0  }
0x87: {  	[sflag:s13] =	ssyncadd.s32 $0xFFFFF000  }
0x88: {  	_ =	swait.ge [sflag:s7], $0x1000  }
0x89: {  	[sflag:s7] =	ssyncset.done $0x0  }
0x8a: {  	[sflag:s7] =	ssyncadd.s32 $0xFFFFF000  }
0x8b: {  	_ =	swait.ge [sflag:s13], $0x1000  }
0x8c: {  	[sflag:s13] =	ssyncset.done $0x0  }
0x8d: {  	[sflag:s13] =	ssyncadd.s32 $0xFFFFF000  }
0x8e: {  	_ =	swait.ge [sflag:s7], $0x1000  }
0x8f: {  	[sflag:s7] =	ssyncset.done $0x0  }
0x90: {  	[sflag:s7] =	ssyncadd.s32 $0xFFFFF000  }
0x91: {  	_ =	swait.ge [sflag:s13], $0x1000  }
0x92: {  	[sflag:s13] =	ssyncset.done $0x0  }
0x93: {  	[sflag:s13] =	ssyncadd.s32 $0xFFFFF000  }
0x94: {  	_ =	swait.ge [sflag:s7], $0x1000  }
0x95: {  	[sflag:s7] =	ssyncset.done $0x0  }
0x96: {  	[sflag:s7] =	ssyncadd.s32 $0xFFFFF000  }
0x97: {  	_ =	swait.ge [sflag:s13], $0x1000  }
0x98: {  	[sflag:s13] =	ssyncset.done $0x0  }
0x99: {  	[sflag:s13] =	ssyncadd.s32 $0xFFFFF000  }
0x9a: {  	_ =	swait.ge [sflag:s7], $0x1000  }
0x9b: {  	[sflag:s7] =	ssyncset.done $0x0  }
0x9c: {  	[sflag:s7] =	ssyncadd.s32 $0xFFFFF000  }
0x9d: {  	_ =	swait.ge [sflag:s13], $0x1000  }
0x9e: {  	[sflag:s13] =	ssyncset.done $0x0  }
0x9f: {  	[sflag:s13] =	ssyncadd.s32 $0xFFFFF000  }
0xa0: {  	_ =	swait.ge [sflag:s7], $0x1000  }
0xa1: {  	[sflag:s7] =	ssyncset.done $0x0  }
0xa2: {  	[sflag:s7] =	ssyncadd.s32 $0xFFFFF000  }
0xa3: {  	_ =	swait.ge [sflag:s13], $0x1000  }
0xa4: {  	[sflag:s13] =	ssyncset.done $0x0  }
0xa5: {  	[sflag:s13] =	ssyncadd.s32 $0xFFFFF000  }
0xa6: {  	_ =	swait.ge [sflag:s7], $0x1000  }
0xa7: {  	[sflag:s7] =	ssyncset.done $0x0  }
0xa8: {  	[sflag:s7] =	ssyncadd.s32 $0xFFFFF000  }
0xa9: {  	_ =	swait.ge [sflag:s13], $0x1000  }
0xaa: {  	[sflag:s13] =	ssyncset.done $0x0  }
0xab: {  	[sflag:s13] =	ssyncadd.s32 $0xFFFFF000  }
0xac: {  	_ =	swait.ge [sflag:s7], $0x1000  }
0xad: {  	[sflag:s7] =	ssyncset.done $0x0  }
0xae: {  	[sflag:s7] =	ssyncadd.s32 $0xFFFFF000  }
0xaf: {  	_ =	swait.ge [sflag:s13], $0x1000  }
0xb0: {  	[sflag:s13] =	ssyncset.done $0x0  }
0xb1: {  	[sflag:s13] =	ssyncadd.s32 $0xFFFFF000  }
0xb2: {  	_ =	swait.ge [sflag:s7], $0x1000  }
0xb3: {  	[sflag:s7] =	ssyncset.done $0x0  }
0xb4: {  	[sflag:s7] =	ssyncadd.s32 $0xFFFFF000  }
0xb5: {  	_ =	swait.ge [sflag:s13], $0x1000  }
.Ltmp5:
0xb6: {  	[sflag:s13] =	ssyncset.done $0x0;
	(pc) =	sbr.rel .LBB2_4-.Ltmp5, $4  }
0xb7: {  	[sflag:s13] =	ssyncadd.s32 $0xFFFFF000  }
0xb8: {  	_ =	swait.ge [sflag:s7], $0x1000  }
0xb9: {  	[sflag:s7] =	ssyncset.done $0x0  }
0xba: {  	[sflag:s7] =	ssyncadd.s32 $0xFFFFF000  }
.LBB2_6:
0xbb: {  	_ =	sfence.sel $0x180000  }
0xbc: {  	[bflag:$0x0] =	sbarrier.arrive $0xFFFF  }
0xbd: {  	_ =	strace $0x9000004A  }
0xbe: {  	s0 =	stileid.u32;
	[bflag:$0x2] =	sbarrier.arrive $0xFFFF  }
0xbf: {  	p0 =	sne.s32 s0, $0x0;
	s0 =	rddreg [dreg:$0x4]  }
0xc0: {  	s0 =	sadd.s32 @!p0 $0x100000, s0  }
0xc1: {  	[sflag:s0] =	ssyncadd.tile.s32 @!p0 $0x1;
	_ =	shalt  }
.Lfunc_end2:
_tile_overlayer_lowered:
.L_overlay_start_2:
0xc2: {  	(tag) =	ssettag $0x2  }
0xc3: {  	s0 =	rddreg [dreg:$0x0];
	s2 =	stileid.u32  }
0xc4: {  	s1 =	rddreg [dreg:$0x1];
	p0 =	sne.s32 s2, $0x0  }
0xc5: {  	s3 =	rddreg [dreg:$0x2];
	[bflag:$0x3] =	sbarrier.arrive $0xFFFF;
	s2 =	simm.s32 @!p0 $0x1C03  }
0xc6: {  	[timem:s3], [sflag:s2] =	dma.local @!p0 [hbm:s0], s1  }
0xc7: {  	s0 =	simm.s32 @!p0 $0x3  }
0xc8: {  	_ =	swait.ge @!p0 [sflag:s0], s1  }
0xc9: {  	s1 =	ssub.s32 @!p0 $0x0, s1;
	[sflag:s0] =	ssyncset.done @!p0 $0x0  }
0xca: {  	[sflag:s0] =	ssyncadd.s32 @!p0 s1  }
0xcb: {  	[bflag:$0x3] =	sbarrier.arrive $0xFFFF  }
0xcc: {  	_ =	shalt  }

</sc_bundles>
